<compile_context>
chip_gen: v7x
topology: tpu7x:2x2x1
jax: 0.10.2.dev20260603
libtpu: 0.0.44.dev20260713+nightly
codegen_flags: <defaults>
</compile_context>

<pallas_src>
import functools

import jax
import jax.numpy as jnp
from jax import lax
from jax.experimental import pallas as pl
from jax.experimental.pallas import tpu as pltpu
from jax.experimental.pallas import tpu_sc as plsc

E = 8
K = 2
H = 12
D = 4
NW = 32
LANES = 16
ALPHA2 = 0.001
ALPHA3 = 0.001


def _tc_logits(hs2d, weight, n_tokens):
    tpw = n_tokens // NW

    def body(w_ref, hs_ref, out_ref):
        r = jax.lax.dot_general(
            w_ref[...], hs_ref[...], (((1,), (1,)), ((), ())),
            preferred_element_type=jnp.float32)
        for w in range(NW):
            out_ref[w] = r[:, w * tpw:(w + 1) * tpw]

    return pl.pallas_call(
        body,
        out_shape=jax.ShapeDtypeStruct((NW, E, tpw), jnp.float32),
    )(weight, hs2d)


def _sc_gate(logits3, n_tokens):
    tpw = n_tokens // NW
    groups = tpw // LANES

    mesh = plsc.VectorSubcoreMesh(core_axis_name="c", subcore_axis_name="s")

    @functools.partial(
        pl.kernel,
        mesh=mesh,
        compiler_params=pltpu.CompilerParams(needs_layout_passes=False),
        out_type=[
            jax.ShapeDtypeStruct((n_tokens * K,), jnp.int32),
            jax.ShapeDtypeStruct((n_tokens * K,), jnp.float32),
            jax.ShapeDtypeStruct((NW, 10, LANES), jnp.float32),
        ],
        scratch_types=[
            pltpu.VMEM((E, tpw), jnp.float32),
            pltpu.VMEM((tpw * K,), jnp.int32),
            pltpu.VMEM((tpw * K,), jnp.float32),
            pltpu.VMEM((LANES,), jnp.float32),
            pltpu.VMEM((LANES,), jnp.float32),
            pltpu.VMEM((10, LANES), jnp.float32),
        ],
    )
    def gate(l_hbm, idx_hbm, tw_hbm, stats_hbm,
             l_v, idx_s, tw_s, cnt_v, ag_v, st_s):
        wid = lax.axis_index("s") * 2 + lax.axis_index("c")
        base = wid * tpw
        pltpu.sync_copy(l_hbm.at[wid], l_v)

        lanes = lax.iota(jnp.int32, LANES)
        zero = jnp.zeros((LANES,), jnp.float32)
        one = jnp.ones((LANES,), jnp.float32)
        cnt_v[...] = zero
        ag_v[...] = zero

        def body(g, pi):
            t0 = g * LANES
            logits = [l_v[e, pl.ds(t0, LANES)] for e in range(E)]
            exps = [jnp.exp(l) for l in logits]
            ssum = exps[0]
            for e in range(1, E):
                ssum = ssum + exps[e]
            inv = one / ssum
            pi = tuple(pi[e] + exps[e] * inv for e in range(E))

            neg = jnp.full((LANES,), -1e30, jnp.float32)
            m1 = logits[0]
            i1 = jnp.zeros((LANES,), jnp.int32)
            for e in range(1, E):
                ev = jnp.full((LANES,), e, jnp.int32)
                gt = logits[e] > m1
                m1 = jnp.where(gt, logits[e], m1)
                i1 = jnp.where(gt, ev, i1)
            m2 = jnp.where(i1 == 0, neg, logits[0])
            i2 = jnp.zeros((LANES,), jnp.int32)
            for e in range(1, E):
                ev = jnp.full((LANES,), e, jnp.int32)
                le = jnp.where(i1 == ev, neg, logits[e])
                gt = le > m2
                m2 = jnp.where(gt, le, m2)
                i2 = jnp.where(gt, ev, i2)
            p1 = jnp.exp(m1) * inv
            p2 = jnp.exp(m2) * inv

            obase = (t0 + lanes) * K
            plsc.store_scatter(idx_s, [obase], i1)
            plsc.store_scatter(idx_s, [obase + 1], i2)
            plsc.store_scatter(tw_s, [obase], p1)
            plsc.store_scatter(tw_s, [obase + 1], p2)

            plsc.addupdate_scatter(cnt_v, [i1], one)
            plsc.addupdate_scatter(cnt_v, [i2], one)
            g1 = lax.shift_right_logical(i1, 1)
            g2 = lax.shift_right_logical(i2, 1)
            plsc.addupdate_scatter(ag_v, [g1], one)
            plsc.addupdate_scatter(ag_v, [g2], one, mask=g2 != g1)
            return pi

        pi = lax.fori_loop(0, groups, body, (zero,) * E)
        for e in range(E):
            st_s[e] = pi[e]
        st_s[8] = cnt_v[...]
        st_s[9] = ag_v[...]
        pltpu.sync_copy(idx_s, idx_hbm.at[pl.ds(base * K, tpw * K)])
        pltpu.sync_copy(tw_s, tw_hbm.at[pl.ds(base * K, tpw * K)])
        pltpu.sync_copy(st_s, stats_hbm.at[wid])

    return gate(logits3)


def _epilogue(stats, bsz, seq_len):
    wpb = NW // bsz

    def body(s_ref, dev_ref, comm_ref):
        s = s_ref[...]
        pi_w = jnp.sum(s[:, 0:E, :], axis=2)
        cnt_w = s[:, E:E + 1, :].reshape(NW, LANES)
        ag_w = s[:, E + 1:E + 2, :].reshape(NW, LANES)
        bi = lax.broadcasted_iota(jnp.int32, (bsz, NW), 0)
        wi = lax.broadcasted_iota(jnp.int32, (bsz, NW), 1)
        sel = (wi // wpb == bi).astype(jnp.float32)
        pi = jnp.dot(sel, pi_w, preferred_element_type=jnp.float32) * (1.0 / seq_len)
        cnt = jnp.dot(sel, cnt_w, preferred_element_type=jnp.float32)[:, 0:E] \
            * (E / (seq_len * K))
        ag = jnp.dot(sel, ag_w, preferred_element_type=jnp.float32)[:, 0:D] \
            * (D / seq_len)
        ei = lax.broadcasted_iota(jnp.int32, (E, D), 0)
        gi = lax.broadcasted_iota(jnp.int32, (E, D), 1)
        pair = (ei // 2 == gi).astype(jnp.float32)
        pig = jnp.dot(pi, pair, preferred_element_type=jnp.float32)
        fig = jnp.dot(cnt, pair, preferred_element_type=jnp.float32) * 0.5
        dev = jnp.sum(fig * pig) * (ALPHA2 / bsz)
        comm = jnp.sum(ag * pig) * (ALPHA3 / bsz)
        dev_ref[...] = dev
        comm_ref[...] = comm

    return pl.pallas_call(
        body,
        out_specs=(
            pl.BlockSpec(memory_space=pltpu.SMEM),
            pl.BlockSpec(memory_space=pltpu.SMEM),
        ),
        out_shape=(
            jax.ShapeDtypeStruct((), jnp.float32),
            jax.ShapeDtypeStruct((), jnp.float32),
        ),
    )(stats)


def kernel(hidden_states, weight):
    bsz, seq_len, h = hidden_states.shape
    n_tokens = bsz * seq_len
    logits3 = _tc_logits(hidden_states.reshape(n_tokens, h), weight, n_tokens)
    idx_f, tw_f, stats = _sc_gate(logits3, n_tokens)
    dev, comm = _epilogue(stats, bsz, seq_len)
    return (idx_f.reshape(n_tokens, K), tw_f.reshape(n_tokens, K),
            dev, comm)

# --- scband reference (transcript-rebuilt; emitter-appended) ---
"""Pipeline reference for scband-mo-egate-10557029614152 (READ-ONLY COPY).

The authoritative reference and input builder live on the scoring server;
editing this copy changes nothing except your own understanding.
"""

import jax, jax.numpy as jnp
import numpy as np

E = 8
TOPK = 2
D = 4
M = 1
GDIM = 12
ALPHA2 = 0.001
ALPHA3 = 0.001


def setup_inputs(seed: int = 0) -> dict:
    key = jax.random.key(seed)
    k1, k2 = jax.random.split(key)
    bsz, seq_len, h = 4, 8192, GDIM
    hidden_states = jax.random.normal(k1, (bsz, seq_len, h), dtype=jnp.float32)
    # kaiming_uniform_(a=sqrt(5)) -> U(-1/sqrt(fan_in), 1/sqrt(fan_in))
    bound = 1.0 / np.sqrt(GDIM)
    weight = jax.random.uniform(k2, (E, GDIM), dtype=jnp.float32, minval=-bound, maxval=bound)
    return {"hidden_states": hidden_states, "weight": weight}


def reference(hidden_states, weight):
    bsz, seq_len, h = hidden_states.shape
    hs = hidden_states.reshape(-1, h)
    logits = hs @ weight.T
    scores = jax.nn.softmax(logits, axis=-1)
    topk_weight, topk_idx = jax.lax.top_k(scores, TOPK)
    # norm_topk_prob = False, seq_aux = False
    step = E // D
    scores_seq = scores.reshape(bsz, seq_len, E)
    Pi = scores_seq.mean(axis=1)  # [bsz, E]
    # DevBal: ce via scatter_add of ones == per-row bincount
    idx_flat = topk_idx.reshape(bsz, seq_len * TOPK)
    ce = jax.vmap(lambda ix: jnp.bincount(ix, length=E))(idx_flat).astype(jnp.float32)
    ce = ce / (seq_len * TOPK / E)
    fi_group = ce.reshape(bsz, D, step).mean(axis=-1)   # [bsz, D]
    Pi_group = Pi.reshape(bsz, D, step).sum(axis=-1)    # [bsz, D]
    DevBal_loss = (fi_group * Pi_group).sum(axis=1).mean() * ALPHA2
    # CommBal
    raw = topk_idx.reshape(bsz, seq_len, TOPK) // step
    new = jnp.stack([(raw == i).any(axis=-1).sum(axis=-1) for i in range(D)], axis=1).astype(jnp.float32)
    new = new * D / (seq_len * M)
    CommBal_loss = (new * Pi_group).sum(axis=1).mean() * ALPHA3
    return (topk_idx, topk_weight, DevBal_loss, CommBal_loss)

if __name__ == "__main__":
    import jax
    _d = setup_inputs()
    print(jax.jit(kernel)(*tuple(_d.values())))

</pallas_src>

<mosaic_0001>
#map = affine_map<(d0, d1) -> (0, 0, 0)>
#map1 = affine_map<(d0, d1) -> (0)>
module attributes {stable_mosaic.version = 14 : i64} {
  func.func @gate(%arg0: i32, %arg1: i32, %arg2: memref<32x8x1024xf32, #tpu.memory_space<hbm>>, %arg3: memref<65536xi32, #tpu.memory_space<hbm>>, %arg4: memref<65536xf32, #tpu.memory_space<hbm>>, %arg5: memref<32x10x16xf32, #tpu.memory_space<hbm>>, %arg6: memref<8x1024xf32, #tpu.memory_space<vmem>>, %arg7: memref<2048xi32, #tpu.memory_space<vmem>>, %arg8: memref<2048xf32, #tpu.memory_space<vmem>>, %arg9: memref<16xf32, #tpu.memory_space<vmem>>, %arg10: memref<16xf32, #tpu.memory_space<vmem>>, %arg11: memref<10x16xf32, #tpu.memory_space<vmem>>) attributes {dimension_semantics = [#tpu.dimension_semantics<core_parallel>, #tpu.dimension_semantics<subcore_parallel>], iteration_bounds = array<i64: 2, 16>, scalar_prefetch = 0 : i64, scratch_operands = 6 : i64, tpu.core_type = #tpu.core_type<sc_vector_subcore>, window_params = [{transform_indices = #map}, {transform_indices = #map1}, {transform_indices = #map1}, {transform_indices = #map}]} {
    %mul3A = arith.constant 2 : i32
    %mul3A_0 = arith.muli %arg1, %mul3A : i32
    %add3A = arith.addi %mul3A_0, %arg0 : i32
    %mul3A_1 = arith.constant 1024 : i32
    %mul3A_2 = arith.muli %add3A, %mul3A_1 : i32
    "tpu.region"() ({
      %run_scoped3A = tpu.sem_alloc : memref<!tpu.dma_semaphore, #tpu.memory_space<semaphore_mem>>
      %dma_start3A = arith.constant 0 : i32
      %dma_start3A_61 = arith.constant 0 : i32
      %dma_start3A_62 = tpu.memref_slice %arg2[%add3A, %dma_start3A, %dma_start3A_61] : memref<32x8x1024xf32, #tpu.memory_space<hbm>> -> memref<1x8x1024xf32, #tpu.memory_space<hbm>>
      %dma_start3A_63 = tpu.memref_squeeze %dma_start3A_62 : memref<1x8x1024xf32, #tpu.memory_space<hbm>> -> memref<8x1024xf32, #tpu.memory_space<hbm>>
      %dma_start3A_64 = arith.constant 0 : i32
      %dma_start3A_65 = arith.constant 0 : i32
      %dma_start3A_66 = tpu.memref_slice %arg2[%add3A, %dma_start3A_64, %dma_start3A_65] : memref<32x8x1024xf32, #tpu.memory_space<hbm>> -> memref<1x8x1024xf32, #tpu.memory_space<hbm>>
      %dma_start3A_67 = tpu.memref_squeeze %dma_start3A_66 : memref<1x8x1024xf32, #tpu.memory_space<hbm>> -> memref<8x1024xf32, #tpu.memory_space<hbm>>
      tpu.enqueue_dma source(%dma_start3A_67 : memref<8x1024xf32, #tpu.memory_space<hbm>>) target(%arg6 : memref<8x1024xf32, #tpu.memory_space<vmem>>) target_semaphore(%run_scoped3A : memref<!tpu.dma_semaphore, #tpu.memory_space<semaphore_mem>>)
      %dma_wait3A = arith.constant 0 : i32
      %dma_wait3A_68 = arith.constant 0 : i32
      %dma_wait3A_69 = tpu.memref_slice %arg2[%add3A, %dma_wait3A, %dma_wait3A_68] : memref<32x8x1024xf32, #tpu.memory_space<hbm>> -> memref<1x8x1024xf32, #tpu.memory_space<hbm>>
      %dma_wait3A_70 = tpu.memref_squeeze %dma_wait3A_69 : memref<1x8x1024xf32, #tpu.memory_space<hbm>> -> memref<8x1024xf32, #tpu.memory_space<hbm>>
      %dma_wait3A_71 = arith.constant 0 : i32
      %dma_wait3A_72 = arith.constant 0 : i32
      %dma_wait3A_73 = tpu.memref_slice %arg2[%add3A, %dma_wait3A_71, %dma_wait3A_72] : memref<32x8x1024xf32, #tpu.memory_space<hbm>> -> memref<1x8x1024xf32, #tpu.memory_space<hbm>>
      %dma_wait3A_74 = tpu.memref_squeeze %dma_wait3A_73 : memref<1x8x1024xf32, #tpu.memory_space<hbm>> -> memref<8x1024xf32, #tpu.memory_space<hbm>>
      tpu.wait_dma2 semaphore(%run_scoped3A : memref<!tpu.dma_semaphore, #tpu.memory_space<semaphore_mem>>) src(%dma_wait3A_74 : memref<8x1024xf32, #tpu.memory_space<hbm>>) dst(%arg6 : memref<8x1024xf32, #tpu.memory_space<vmem>>)
      tpu.yield
    }) : () -> ()
    %iota3A = tpu.iota {dimensions = array<i32: 0>} : vector<16xi32>
    %broadcast_in_dim3A = arith.constant 0.000000e+00 : f32
    %broadcast_in_dim3A_3 = vector.broadcast %broadcast_in_dim3A : f32 to vector<16xf32>
    %broadcast_in_dim3A_4 = arith.constant 1.000000e+00 : f32
    %broadcast_in_dim3A_5 = vector.broadcast %broadcast_in_dim3A_4 : f32 to vector<16xf32>
    %swap3A = arith.constant 0 : index
    %swap3A_6 = tpu.vector_load %arg9[%swap3A] {strides = array<i32>} : memref<16xf32, #tpu.memory_space<vmem>>, vector<16xf32>,
    tpu.vector_store %arg9[%swap3A], %broadcast_in_dim3A_3 {strides = array<i32>} : memref<16xf32, #tpu.memory_space<vmem>>, vector<16xf32>,
    %swap3A_7 = arith.constant 0 : index
    %swap3A_8 = tpu.vector_load %arg10[%swap3A_7] {strides = array<i32>} : memref<16xf32, #tpu.memory_space<vmem>>, vector<16xf32>,
    tpu.vector_store %arg10[%swap3A_7], %broadcast_in_dim3A_3 {strides = array<i32>} : memref<16xf32, #tpu.memory_space<vmem>>, vector<16xf32>,
    %scan3A = arith.constant 0 : i32
    %scan3A_9 = arith.constant 64 : i32
    %scan3A_10 = arith.addi %scan3A, %scan3A_9 : i32
    %scan3A_11 = arith.constant 1 : i32
    %scan3A_12:8 = scf.for %scan3A_61 = %scan3A to %scan3A_10 step %scan3A_11 iter_args(%scan3A_62 = %broadcast_in_dim3A_3, %scan3A_63 = %broadcast_in_dim3A_3, %scan3A_64 = %broadcast_in_dim3A_3, %scan3A_65 = %broadcast_in_dim3A_3, %scan3A_66 = %broadcast_in_dim3A_3, %scan3A_67 = %broadcast_in_dim3A_3, %scan3A_68 = %broadcast_in_dim3A_3, %scan3A_69 = %broadcast_in_dim3A_3) -> (vector<16xf32>, vector<16xf32>, vector<16xf32>, vector<16xf32>, vector<16xf32>, vector<16xf32>, vector<16xf32>, vector<16xf32>)  : i32 {
      %mul3A_70 = arith.constant 16 : i32
      %mul3A_71 = arith.muli %scan3A_61, %mul3A_70 : i32
      %get3A_72 = arith.constant 0 : i32
      %get3A_73 = arith.index_cast %get3A_72 : i32 to index
      %get3A_74 = arith.index_cast %mul3A_71 : i32 to index
      %get3A_75 = tpu.vector_load %arg6[%get3A_73, %get3A_74] {strides = array<i32>} : memref<8x1024xf32, #tpu.memory_space<vmem>>, vector<16xf32>,
      %get3A_76 = arith.constant 1 : i32
      %get3A_77 = arith.index_cast %get3A_76 : i32 to index
      %get3A_78 = arith.index_cast %mul3A_71 : i32 to index
      %get3A_79 = tpu.vector_load %arg6[%get3A_77, %get3A_78] {strides = array<i32>} : memref<8x1024xf32, #tpu.memory_space<vmem>>, vector<16xf32>,
      %get3A_80 = arith.constant 2 : i32
      %get3A_81 = arith.index_cast %get3A_80 : i32 to index
      %get3A_82 = arith.index_cast %mul3A_71 : i32 to index
      %get3A_83 = tpu.vector_load %arg6[%get3A_81, %get3A_82] {strides = array<i32>} : memref<8x1024xf32, #tpu.memory_space<vmem>>, vector<16xf32>,
      %get3A_84 = arith.constant 3 : i32
      %get3A_85 = arith.index_cast %get3A_84 : i32 to index
      %get3A_86 = arith.index_cast %mul3A_71 : i32 to index
      %get3A_87 = tpu.vector_load %arg6[%get3A_85, %get3A_86] {strides = array<i32>} : memref<8x1024xf32, #tpu.memory_space<vmem>>, vector<16xf32>,
      %get3A_88 = arith.constant 4 : i32
      %get3A_89 = arith.index_cast %get3A_88 : i32 to index
      %get3A_90 = arith.index_cast %mul3A_71 : i32 to index
      %get3A_91 = tpu.vector_load %arg6[%get3A_89, %get3A_90] {strides = array<i32>} : memref<8x1024xf32, #tpu.memory_space<vmem>>, vector<16xf32>,
      %get3A_92 = arith.constant 5 : i32
      %get3A_93 = arith.index_cast %get3A_92 : i32 to index
      %get3A_94 = arith.index_cast %mul3A_71 : i32 to index
      %get3A_95 = tpu.vector_load %arg6[%get3A_93, %get3A_94] {strides = array<i32>} : memref<8x1024xf32, #tpu.memory_space<vmem>>, vector<16xf32>,
      %get3A_96 = arith.constant 6 : i32
      %get3A_97 = arith.index_cast %get3A_96 : i32 to index
      %get3A_98 = arith.index_cast %mul3A_71 : i32 to index
      %get3A_99 = tpu.vector_load %arg6[%get3A_97, %get3A_98] {strides = array<i32>} : memref<8x1024xf32, #tpu.memory_space<vmem>>, vector<16xf32>,
      %get3A_100 = arith.constant 7 : i32
      %get3A_101 = arith.index_cast %get3A_100 : i32 to index
      %get3A_102 = arith.index_cast %mul3A_71 : i32 to index
      %get3A_103 = tpu.vector_load %arg6[%get3A_101, %get3A_102] {strides = array<i32>} : memref<8x1024xf32, #tpu.memory_space<vmem>>, vector<16xf32>,
      %exp3A = math.exp %get3A_75 : vector<16xf32>
      %exp3A_104 = math.exp %get3A_79 : vector<16xf32>
      %exp3A_105 = math.exp %get3A_83 : vector<16xf32>
      %exp3A_106 = math.exp %get3A_87 : vector<16xf32>
      %exp3A_107 = math.exp %get3A_91 : vector<16xf32>
      %exp3A_108 = math.exp %get3A_95 : vector<16xf32>
      %exp3A_109 = math.exp %get3A_99 : vector<16xf32>
      %exp3A_110 = math.exp %get3A_103 : vector<16xf32>
      %add3A_111 = arith.addf %exp3A, %exp3A_104 : vector<16xf32>
      %add3A_112 = arith.addf %add3A_111, %exp3A_105 : vector<16xf32>
      %add3A_113 = arith.addf %add3A_112, %exp3A_106 : vector<16xf32>
      %add3A_114 = arith.addf %add3A_113, %exp3A_107 : vector<16xf32>
      %add3A_115 = arith.addf %add3A_114, %exp3A_108 : vector<16xf32>
      %add3A_116 = arith.addf %add3A_115, %exp3A_109 : vector<16xf32>
      %add3A_117 = arith.addf %add3A_116, %exp3A_110 : vector<16xf32>
      %div3A = arith.divf %broadcast_in_dim3A_5, %add3A_117 : vector<16xf32>
      %mul3A_118 = arith.mulf %exp3A, %div3A : vector<16xf32>
      %add3A_119 = arith.addf %scan3A_62, %mul3A_118 : vector<16xf32>
      %mul3A_120 = arith.mulf %exp3A_104, %div3A : vector<16xf32>
      %add3A_121 = arith.addf %scan3A_63, %mul3A_120 : vector<16xf32>
      %mul3A_122 = arith.mulf %exp3A_105, %div3A : vector<16xf32>
      %add3A_123 = arith.addf %scan3A_64, %mul3A_122 : vector<16xf32>
      %mul3A_124 = arith.mulf %exp3A_106, %div3A : vector<16xf32>
      %add3A_125 = arith.addf %scan3A_65, %mul3A_124 : vector<16xf32>
      %mul3A_126 = arith.mulf %exp3A_107, %div3A : vector<16xf32>
      %add3A_127 = arith.addf %scan3A_66, %mul3A_126 : vector<16xf32>
      %mul3A_128 = arith.mulf %exp3A_108, %div3A : vector<16xf32>
      %add3A_129 = arith.addf %scan3A_67, %mul3A_128 : vector<16xf32>
      %mul3A_130 = arith.mulf %exp3A_109, %div3A : vector<16xf32>
      %add3A_131 = arith.addf %scan3A_68, %mul3A_130 : vector<16xf32>
      %mul3A_132 = arith.mulf %exp3A_110, %div3A : vector<16xf32>
      %add3A_133 = arith.addf %scan3A_69, %mul3A_132 : vector<16xf32>
      %broadcast_in_dim3A_134 = arith.constant -1.000000e+30 : f32
      %broadcast_in_dim3A_135 = vector.broadcast %broadcast_in_dim3A_134 : f32 to vector<16xf32>
      %broadcast_in_dim3A_136 = arith.constant 0 : i32
      %broadcast_in_dim3A_137 = vector.broadcast %broadcast_in_dim3A_136 : i32 to vector<16xi32>
      %broadcast_in_dim3A_138 = arith.constant 1 : i32
      %broadcast_in_dim3A_139 = vector.broadcast %broadcast_in_dim3A_138 : i32 to vector<16xi32>
      %gt3A = arith.cmpf ogt, %get3A_79, %get3A_75 : vector<16xf32>
      %select_n3A = arith.select %gt3A, %get3A_79, %get3A_75 : vector<16xi1>, vector<16xf32>
      %select_n3A_140 = arith.select %gt3A, %broadcast_in_dim3A_139, %broadcast_in_dim3A_137 : vector<16xi1>, vector<16xi32>
      %broadcast_in_dim3A_141 = arith.constant 2 : i32
      %broadcast_in_dim3A_142 = vector.broadcast %broadcast_in_dim3A_141 : i32 to vector<16xi32>
      %gt3A_143 = arith.cmpf ogt, %get3A_83, %select_n3A : vector<16xf32>
      %select_n3A_144 = arith.select %gt3A_143, %get3A_83, %select_n3A : vector<16xi1>, vector<16xf32>
      %select_n3A_145 = arith.select %gt3A_143, %broadcast_in_dim3A_142, %select_n3A_140 : vector<16xi1>, vector<16xi32>
      %broadcast_in_dim3A_146 = arith.constant 3 : i32
      %broadcast_in_dim3A_147 = vector.broadcast %broadcast_in_dim3A_146 : i32 to vector<16xi32>
      %gt3A_148 = arith.cmpf ogt, %get3A_87, %select_n3A_144 : vector<16xf32>
      %select_n3A_149 = arith.select %gt3A_148, %get3A_87, %select_n3A_144 : vector<16xi1>, vector<16xf32>
      %select_n3A_150 = arith.select %gt3A_148, %broadcast_in_dim3A_147, %select_n3A_145 : vector<16xi1>, vector<16xi32>
      %broadcast_in_dim3A_151 = arith.constant 4 : i32
      %broadcast_in_dim3A_152 = vector.broadcast %broadcast_in_dim3A_151 : i32 to vector<16xi32>
      %gt3A_153 = arith.cmpf ogt, %get3A_91, %select_n3A_149 : vector<16xf32>
      %select_n3A_154 = arith.select %gt3A_153, %get3A_91, %select_n3A_149 : vector<16xi1>, vector<16xf32>
      %select_n3A_155 = arith.select %gt3A_153, %broadcast_in_dim3A_152, %select_n3A_150 : vector<16xi1>, vector<16xi32>
      %broadcast_in_dim3A_156 = arith.constant 5 : i32
      %broadcast_in_dim3A_157 = vector.broadcast %broadcast_in_dim3A_156 : i32 to vector<16xi32>
      %gt3A_158 = arith.cmpf ogt, %get3A_95, %select_n3A_154 : vector<16xf32>
      %select_n3A_159 = arith.select %gt3A_158, %get3A_95, %select_n3A_154 : vector<16xi1>, vector<16xf32>
      %select_n3A_160 = arith.select %gt3A_158, %broadcast_in_dim3A_157, %select_n3A_155 : vector<16xi1>, vector<16xi32>
      %broadcast_in_dim3A_161 = arith.constant 6 : i32
      %broadcast_in_dim3A_162 = vector.broadcast %broadcast_in_dim3A_161 : i32 to vector<16xi32>
      %gt3A_163 = arith.cmpf ogt, %get3A_99, %select_n3A_159 : vector<16xf32>
      %select_n3A_164 = arith.select %gt3A_163, %get3A_99, %select_n3A_159 : vector<16xi1>, vector<16xf32>
      %select_n3A_165 = arith.select %gt3A_163, %broadcast_in_dim3A_162, %select_n3A_160 : vector<16xi1>, vector<16xi32>
      %broadcast_in_dim3A_166 = arith.constant 7 : i32
      %broadcast_in_dim3A_167 = vector.broadcast %broadcast_in_dim3A_166 : i32 to vector<16xi32>
      %gt3A_168 = arith.cmpf ogt, %get3A_103, %select_n3A_164 : vector<16xf32>
      %select_n3A_169 = arith.select %gt3A_168, %get3A_103, %select_n3A_164 : vector<16xi1>, vector<16xf32>
      %select_n3A_170 = arith.select %gt3A_168, %broadcast_in_dim3A_167, %select_n3A_165 : vector<16xi1>, vector<16xi32>
      %eq3A = arith.constant 0 : i32
      %eq3A_171 = vector.broadcast %eq3A : i32 to vector<16xi32>
      %eq3A_172 = arith.cmpi eq, %select_n3A_170, %eq3A_171 : vector<16xi32>
      %select_n3A_173 = arith.select %eq3A_172, %broadcast_in_dim3A_135, %get3A_75 : vector<16xi1>, vector<16xf32>
      %broadcast_in_dim3A_174 = arith.constant 0 : i32
      %broadcast_in_dim3A_175 = vector.broadcast %broadcast_in_dim3A_174 : i32 to vector<16xi32>
      %broadcast_in_dim3A_176 = arith.constant 1 : i32
      %broadcast_in_dim3A_177 = vector.broadcast %broadcast_in_dim3A_176 : i32 to vector<16xi32>
      %eq3A_178 = arith.cmpi eq, %select_n3A_170, %broadcast_in_dim3A_177 : vector<16xi32>
      %select_n3A_179 = arith.select %eq3A_178, %broadcast_in_dim3A_135, %get3A_79 : vector<16xi1>, vector<16xf32>
      %gt3A_180 = arith.cmpf ogt, %select_n3A_179, %select_n3A_173 : vector<16xf32>
      %select_n3A_181 = arith.select %gt3A_180, %select_n3A_179, %select_n3A_173 : vector<16xi1>, vector<16xf32>
      %select_n3A_182 = arith.select %gt3A_180, %broadcast_in_dim3A_177, %broadcast_in_dim3A_175 : vector<16xi1>, vector<16xi32>
      %broadcast_in_dim3A_183 = arith.constant 2 : i32
      %broadcast_in_dim3A_184 = vector.broadcast %broadcast_in_dim3A_183 : i32 to vector<16xi32>
      %eq3A_185 = arith.cmpi eq, %select_n3A_170, %broadcast_in_dim3A_184 : vector<16xi32>
      %select_n3A_186 = arith.select %eq3A_185, %broadcast_in_dim3A_135, %get3A_83 : vector<16xi1>, vector<16xf32>
      %gt3A_187 = arith.cmpf ogt, %select_n3A_186, %select_n3A_181 : vector<16xf32>
      %select_n3A_188 = arith.select %gt3A_187, %select_n3A_186, %select_n3A_181 : vector<16xi1>, vector<16xf32>
      %select_n3A_189 = arith.select %gt3A_187, %broadcast_in_dim3A_184, %select_n3A_182 : vector<16xi1>, vector<16xi32>
      %broadcast_in_dim3A_190 = arith.constant 3 : i32
      %broadcast_in_dim3A_191 = vector.broadcast %broadcast_in_dim3A_190 : i32 to vector<16xi32>
      %eq3A_192 = arith.cmpi eq, %select_n3A_170, %broadcast_in_dim3A_191 : vector<16xi32>
      %select_n3A_193 = arith.select %eq3A_192, %broadcast_in_dim3A_135, %get3A_87 : vector<16xi1>, vector<16xf32>
      %gt3A_194 = arith.cmpf ogt, %select_n3A_193, %select_n3A_188 : vector<16xf32>
      %select_n3A_195 = arith.select %gt3A_194, %select_n3A_193, %select_n3A_188 : vector<16xi1>, vector<16xf32>
      %select_n3A_196 = arith.select %gt3A_194, %broadcast_in_dim3A_191, %select_n3A_189 : vector<16xi1>, vector<16xi32>
      %broadcast_in_dim3A_197 = arith.constant 4 : i32
      %broadcast_in_dim3A_198 = vector.broadcast %broadcast_in_dim3A_197 : i32 to vector<16xi32>
      %eq3A_199 = arith.cmpi eq, %select_n3A_170, %broadcast_in_dim3A_198 : vector<16xi32>
      %select_n3A_200 = arith.select %eq3A_199, %broadcast_in_dim3A_135, %get3A_91 : vector<16xi1>, vector<16xf32>
      %gt3A_201 = arith.cmpf ogt, %select_n3A_200, %select_n3A_195 : vector<16xf32>
      %select_n3A_202 = arith.select %gt3A_201, %select_n3A_200, %select_n3A_195 : vector<16xi1>, vector<16xf32>
      %select_n3A_203 = arith.select %gt3A_201, %broadcast_in_dim3A_198, %select_n3A_196 : vector<16xi1>, vector<16xi32>
      %broadcast_in_dim3A_204 = arith.constant 5 : i32
      %broadcast_in_dim3A_205 = vector.broadcast %broadcast_in_dim3A_204 : i32 to vector<16xi32>
      %eq3A_206 = arith.cmpi eq, %select_n3A_170, %broadcast_in_dim3A_205 : vector<16xi32>
      %select_n3A_207 = arith.select %eq3A_206, %broadcast_in_dim3A_135, %get3A_95 : vector<16xi1>, vector<16xf32>
      %gt3A_208 = arith.cmpf ogt, %select_n3A_207, %select_n3A_202 : vector<16xf32>
      %select_n3A_209 = arith.select %gt3A_208, %select_n3A_207, %select_n3A_202 : vector<16xi1>, vector<16xf32>
      %select_n3A_210 = arith.select %gt3A_208, %broadcast_in_dim3A_205, %select_n3A_203 : vector<16xi1>, vector<16xi32>
      %broadcast_in_dim3A_211 = arith.constant 6 : i32
      %broadcast_in_dim3A_212 = vector.broadcast %broadcast_in_dim3A_211 : i32 to vector<16xi32>
      %eq3A_213 = arith.cmpi eq, %select_n3A_170, %broadcast_in_dim3A_212 : vector<16xi32>
      %select_n3A_214 = arith.select %eq3A_213, %broadcast_in_dim3A_135, %get3A_99 : vector<16xi1>, vector<16xf32>
      %gt3A_215 = arith.cmpf ogt, %select_n3A_214, %select_n3A_209 : vector<16xf32>
      %select_n3A_216 = arith.select %gt3A_215, %select_n3A_214, %select_n3A_209 : vector<16xi1>, vector<16xf32>
      %select_n3A_217 = arith.select %gt3A_215, %broadcast_in_dim3A_212, %select_n3A_210 : vector<16xi1>, vector<16xi32>
      %broadcast_in_dim3A_218 = arith.constant 7 : i32
      %broadcast_in_dim3A_219 = vector.broadcast %broadcast_in_dim3A_218 : i32 to vector<16xi32>
      %eq3A_220 = arith.cmpi eq, %select_n3A_170, %broadcast_in_dim3A_219 : vector<16xi32>
      %select_n3A_221 = arith.select %eq3A_220, %broadcast_in_dim3A_135, %get3A_103 : vector<16xi1>, vector<16xf32>
      %gt3A_222 = arith.cmpf ogt, %select_n3A_221, %select_n3A_216 : vector<16xf32>
      %select_n3A_223 = arith.select %gt3A_222, %select_n3A_221, %select_n3A_216 : vector<16xi1>, vector<16xf32>
      %select_n3A_224 = arith.select %gt3A_222, %broadcast_in_dim3A_219, %select_n3A_217 : vector<16xi1>, vector<16xi32>
      %exp3A_225 = math.exp %select_n3A_169 : vector<16xf32>
      %mul3A_226 = arith.mulf %exp3A_225, %div3A : vector<16xf32>
      %exp3A_227 = math.exp %select_n3A_223 : vector<16xf32>
      %mul3A_228 = arith.mulf %exp3A_227, %div3A : vector<16xf32>
      %add3A_229 = vector.broadcast %mul3A_71 : i32 to vector<16xi32>
      %add3A_230 = arith.addi %add3A_229, %iota3A : vector<16xi32>
      %mul3A_231 = arith.constant 2 : i32
      %mul3A_232 = vector.broadcast %mul3A_231 : i32 to vector<16xi32>
      %mul3A_233 = arith.muli %add3A_230, %mul3A_232 : vector<16xi32>
      tpu.vector_store_idx %arg7[%mul3A_233], %select_n3A_170 : memref<2048xi32, #tpu.memory_space<vmem>>[vector<16xi32>], vector<16xi32>,
      %add3A_234 = arith.constant 1 : i32
      %add3A_235 = vector.broadcast %add3A_234 : i32 to vector<16xi32>
      %add3A_236 = arith.addi %mul3A_233, %add3A_235 : vector<16xi32>
      tpu.vector_store_idx %arg7[%add3A_236], %select_n3A_224 : memref<2048xi32, #tpu.memory_space<vmem>>[vector<16xi32>], vector<16xi32>,
      tpu.vector_store_idx %arg8[%mul3A_233], %mul3A_226 : memref<2048xf32, #tpu.memory_space<vmem>>[vector<16xi32>], vector<16xf32>,
      %add3A_237 = arith.constant 1 : i32
      %add3A_238 = vector.broadcast %add3A_237 : i32 to vector<16xi32>
      %add3A_239 = arith.addi %mul3A_233, %add3A_238 : vector<16xi32>
      tpu.vector_store_idx %arg8[%add3A_239], %mul3A_228 : memref<2048xf32, #tpu.memory_space<vmem>>[vector<16xi32>], vector<16xf32>,
      tpu.vector_store_idx %arg9[%select_n3A_170], %broadcast_in_dim3A_5 {add = true} : memref<16xf32, #tpu.memory_space<vmem>>[vector<16xi32>], vector<16xf32>,
      tpu.vector_store_idx %arg9[%select_n3A_224], %broadcast_in_dim3A_5 {add = true} : memref<16xf32, #tpu.memory_space<vmem>>[vector<16xi32>], vector<16xf32>,
      %shift_right_logical3A = arith.constant 1 : i32
      %shift_right_logical3A_240 = vector.broadcast %shift_right_logical3A : i32 to vector<16xi32>
      %shift_right_logical3A_241 = arith.shrui %select_n3A_170, %shift_right_logical3A_240 : vector<16xi32>
      %shift_right_logical3A_242 = arith.constant 1 : i32
      %shift_right_logical3A_243 = vector.broadcast %shift_right_logical3A_242 : i32 to vector<16xi32>
      %shift_right_logical3A_244 = arith.shrui %select_n3A_224, %shift_right_logical3A_243 : vector<16xi32>
      tpu.vector_store_idx %arg10[%shift_right_logical3A_241], %broadcast_in_dim3A_5 {add = true} : memref<16xf32, #tpu.memory_space<vmem>>[vector<16xi32>], vector<16xf32>,
      %ne3A = arith.cmpi ne, %shift_right_logical3A_244, %shift_right_logical3A_241 : vector<16xi32>
      tpu.vector_store_idx %arg10[%shift_right_logical3A_244], %broadcast_in_dim3A_5 masked %ne3A {add = true} : memref<16xf32, #tpu.memory_space<vmem>>[vector<16xi32>], vector<16xf32>, vector<16xi1>
      scf.yield %add3A_119, %add3A_121, %add3A_123, %add3A_125, %add3A_127, %add3A_129, %add3A_131, %add3A_133 : vector<16xf32>, vector<16xf32>, vector<16xf32>, vector<16xf32>, vector<16xf32>, vector<16xf32>, vector<16xf32>, vector<16xf32>
    }
    %scan3A_13 = arith.constant 64 : i32
    %swap3A_14 = arith.constant 0 : i32
    %swap3A_15 = arith.index_cast %swap3A_14 : i32 to index
    %swap3A_16 = arith.constant 0 : index
    %swap3A_17 = tpu.vector_load %arg11[%swap3A_15, %swap3A_16] {strides = array<i32>} : memref<10x16xf32, #tpu.memory_space<vmem>>, vector<16xf32>,
    tpu.vector_store %arg11[%swap3A_15, %swap3A_16], %scan3A_12#0 {strides = array<i32>} : memref<10x16xf32, #tpu.memory_space<vmem>>, vector<16xf32>,
    %swap3A_18 = arith.constant 1 : i32
    %swap3A_19 = arith.index_cast %swap3A_18 : i32 to index
    %swap3A_20 = arith.constant 0 : index
    %swap3A_21 = tpu.vector_load %arg11[%swap3A_19, %swap3A_20] {strides = array<i32>} : memref<10x16xf32, #tpu.memory_space<vmem>>, vector<16xf32>,
    tpu.vector_store %arg11[%swap3A_19, %swap3A_20], %scan3A_12#1 {strides = array<i32>} : memref<10x16xf32, #tpu.memory_space<vmem>>, vector<16xf32>,
    %swap3A_22 = arith.constant 2 : i32
    %swap3A_23 = arith.index_cast %swap3A_22 : i32 to index
    %swap3A_24 = arith.constant 0 : index
    %swap3A_25 = tpu.vector_load %arg11[%swap3A_23, %swap3A_24] {strides = array<i32>} : memref<10x16xf32, #tpu.memory_space<vmem>>, vector<16xf32>,
    tpu.vector_store %arg11[%swap3A_23, %swap3A_24], %scan3A_12#2 {strides = array<i32>} : memref<10x16xf32, #tpu.memory_space<vmem>>, vector<16xf32>,
    %swap3A_26 = arith.constant 3 : i32
    %swap3A_27 = arith.index_cast %swap3A_26 : i32 to index
    %swap3A_28 = arith.constant 0 : index
    %swap3A_29 = tpu.vector_load %arg11[%swap3A_27, %swap3A_28] {strides = array<i32>} : memref<10x16xf32, #tpu.memory_space<vmem>>, vector<16xf32>,
    tpu.vector_store %arg11[%swap3A_27, %swap3A_28], %scan3A_12#3 {strides = array<i32>} : memref<10x16xf32, #tpu.memory_space<vmem>>, vector<16xf32>,
    %swap3A_30 = arith.constant 4 : i32
    %swap3A_31 = arith.index_cast %swap3A_30 : i32 to index
    %swap3A_32 = arith.constant 0 : index
    %swap3A_33 = tpu.vector_load %arg11[%swap3A_31, %swap3A_32] {strides = array<i32>} : memref<10x16xf32, #tpu.memory_space<vmem>>, vector<16xf32>,
    tpu.vector_store %arg11[%swap3A_31, %swap3A_32], %scan3A_12#4 {strides = array<i32>} : memref<10x16xf32, #tpu.memory_space<vmem>>, vector<16xf32>,
    %swap3A_34 = arith.constant 5 : i32
    %swap3A_35 = arith.index_cast %swap3A_34 : i32 to index
    %swap3A_36 = arith.constant 0 : index
    %swap3A_37 = tpu.vector_load %arg11[%swap3A_35, %swap3A_36] {strides = array<i32>} : memref<10x16xf32, #tpu.memory_space<vmem>>, vector<16xf32>,
    tpu.vector_store %arg11[%swap3A_35, %swap3A_36], %scan3A_12#5 {strides = array<i32>} : memref<10x16xf32, #tpu.memory_space<vmem>>, vector<16xf32>,
    %swap3A_38 = arith.constant 6 : i32
    %swap3A_39 = arith.index_cast %swap3A_38 : i32 to index
    %swap3A_40 = arith.constant 0 : index
    %swap3A_41 = tpu.vector_load %arg11[%swap3A_39, %swap3A_40] {strides = array<i32>} : memref<10x16xf32, #tpu.memory_space<vmem>>, vector<16xf32>,
    tpu.vector_store %arg11[%swap3A_39, %swap3A_40], %scan3A_12#6 {strides = array<i32>} : memref<10x16xf32, #tpu.memory_space<vmem>>, vector<16xf32>,
    %swap3A_42 = arith.constant 7 : i32
    %swap3A_43 = arith.index_cast %swap3A_42 : i32 to index
    %swap3A_44 = arith.constant 0 : index
    %swap3A_45 = tpu.vector_load %arg11[%swap3A_43, %swap3A_44] {strides = array<i32>} : memref<10x16xf32, #tpu.memory_space<vmem>>, vector<16xf32>,
    tpu.vector_store %arg11[%swap3A_43, %swap3A_44], %scan3A_12#7 {strides = array<i32>} : memref<10x16xf32, #tpu.memory_space<vmem>>, vector<16xf32>,
    %get3A = arith.constant 0 : index
    %get3A_46 = tpu.vector_load %arg9[%get3A] {strides = array<i32>} : memref<16xf32, #tpu.memory_space<vmem>>, vector<16xf32>,
    %swap3A_47 = arith.constant 8 : i32
    %swap3A_48 = arith.index_cast %swap3A_47 : i32 to index
    %swap3A_49 = arith.constant 0 : index
    %swap3A_50 = tpu.vector_load %arg11[%swap3A_48, %swap3A_49] {strides = array<i32>} : memref<10x16xf32, #tpu.memory_space<vmem>>, vector<16xf32>,
    tpu.vector_store %arg11[%swap3A_48, %swap3A_49], %get3A_46 {strides = array<i32>} : memref<10x16xf32, #tpu.memory_space<vmem>>, vector<16xf32>,
    %get3A_51 = arith.constant 0 : index
    %get3A_52 = tpu.vector_load %arg10[%get3A_51] {strides = array<i32>} : memref<16xf32, #tpu.memory_space<vmem>>, vector<16xf32>,
    %swap3A_53 = arith.constant 9 : i32
    %swap3A_54 = arith.index_cast %swap3A_53 : i32 to index
    %swap3A_55 = arith.constant 0 : index
    %swap3A_56 = tpu.vector_load %arg11[%swap3A_54, %swap3A_55] {strides = array<i32>} : memref<10x16xf32, #tpu.memory_space<vmem>>, vector<16xf32>,
    tpu.vector_store %arg11[%swap3A_54, %swap3A_55], %get3A_52 {strides = array<i32>} : memref<10x16xf32, #tpu.memory_space<vmem>>, vector<16xf32>,
    %mul3A_57 = arith.constant 2 : i32
    %mul3A_58 = arith.muli %mul3A_2, %mul3A_57 : i32
    "tpu.region"() ({
      %run_scoped3A = tpu.sem_alloc : memref<!tpu.dma_semaphore, #tpu.memory_space<semaphore_mem>>
      %dma_start3A = tpu.memref_slice %arg3[%mul3A_58] : memref<65536xi32, #tpu.memory_space<hbm>> -> memref<2048xi32, #tpu.memory_space<hbm>>
      %dma_start3A_61 = tpu.memref_slice %arg3[%mul3A_58] : memref<65536xi32, #tpu.memory_space<hbm>> -> memref<2048xi32, #tpu.memory_space<hbm>>
      tpu.enqueue_dma source(%arg7 : memref<2048xi32, #tpu.memory_space<vmem>>) target(%dma_start3A_61 : memref<2048xi32, #tpu.memory_space<hbm>>) target_semaphore(%run_scoped3A : memref<!tpu.dma_semaphore, #tpu.memory_space<semaphore_mem>>)
      %dma_wait3A = tpu.memref_slice %arg3[%mul3A_58] : memref<65536xi32, #tpu.memory_space<hbm>> -> memref<2048xi32, #tpu.memory_space<hbm>>
      %dma_wait3A_62 = tpu.memref_slice %arg3[%mul3A_58] : memref<65536xi32, #tpu.memory_space<hbm>> -> memref<2048xi32, #tpu.memory_space<hbm>>
      tpu.wait_dma2 semaphore(%run_scoped3A : memref<!tpu.dma_semaphore, #tpu.memory_space<semaphore_mem>>) src(%arg7 : memref<2048xi32, #tpu.memory_space<vmem>>) dst(%dma_wait3A_62 : memref<2048xi32, #tpu.memory_space<hbm>>)
      tpu.yield
    }) : () -> ()
    %mul3A_59 = arith.constant 2 : i32
    %mul3A_60 = arith.muli %mul3A_2, %mul3A_59 : i32
    "tpu.region"() ({
      %run_scoped3A = tpu.sem_alloc : memref<!tpu.dma_semaphore, #tpu.memory_space<semaphore_mem>>
      %dma_start3A = tpu.memref_slice %arg4[%mul3A_60] : memref<65536xf32, #tpu.memory_space<hbm>> -> memref<2048xf32, #tpu.memory_space<hbm>>
      %dma_start3A_61 = tpu.memref_slice %arg4[%mul3A_60] : memref<65536xf32, #tpu.memory_space<hbm>> -> memref<2048xf32, #tpu.memory_space<hbm>>
      tpu.enqueue_dma source(%arg8 : memref<2048xf32, #tpu.memory_space<vmem>>) target(%dma_start3A_61 : memref<2048xf32, #tpu.memory_space<hbm>>) target_semaphore(%run_scoped3A : memref<!tpu.dma_semaphore, #tpu.memory_space<semaphore_mem>>)
      %dma_wait3A = tpu.memref_slice %arg4[%mul3A_60] : memref<65536xf32, #tpu.memory_space<hbm>> -> memref<2048xf32, #tpu.memory_space<hbm>>
      %dma_wait3A_62 = tpu.memref_slice %arg4[%mul3A_60] : memref<65536xf32, #tpu.memory_space<hbm>> -> memref<2048xf32, #tpu.memory_space<hbm>>
      tpu.wait_dma2 semaphore(%run_scoped3A : memref<!tpu.dma_semaphore, #tpu.memory_space<semaphore_mem>>) src(%arg8 : memref<2048xf32, #tpu.memory_space<vmem>>) dst(%dma_wait3A_62 : memref<2048xf32, #tpu.memory_space<hbm>>)
      tpu.yield
    }) : () -> ()
    "tpu.region"() ({
      %run_scoped3A = tpu.sem_alloc : memref<!tpu.dma_semaphore, #tpu.memory_space<semaphore_mem>>
      %dma_start3A = arith.constant 0 : i32
      %dma_start3A_61 = arith.constant 0 : i32
      %dma_start3A_62 = tpu.memref_slice %arg5[%add3A, %dma_start3A, %dma_start3A_61] : memref<32x10x16xf32, #tpu.memory_space<hbm>> -> memref<1x10x16xf32, #tpu.memory_space<hbm>>
      %dma_start3A_63 = tpu.memref_squeeze %dma_start3A_62 : memref<1x10x16xf32, #tpu.memory_space<hbm>> -> memref<10x16xf32, #tpu.memory_space<hbm>>
      %dma_start3A_64 = arith.constant 0 : i32
      %dma_start3A_65 = arith.constant 0 : i32
      %dma_start3A_66 = tpu.memref_slice %arg5[%add3A, %dma_start3A_64, %dma_start3A_65] : memref<32x10x16xf32, #tpu.memory_space<hbm>> -> memref<1x10x16xf32, #tpu.memory_space<hbm>>
      %dma_start3A_67 = tpu.memref_squeeze %dma_start3A_66 : memref<1x10x16xf32, #tpu.memory_space<hbm>> -> memref<10x16xf32, #tpu.memory_space<hbm>>
      tpu.enqueue_dma source(%arg11 : memref<10x16xf32, #tpu.memory_space<vmem>>) target(%dma_start3A_67 : memref<10x16xf32, #tpu.memory_space<hbm>>) target_semaphore(%run_scoped3A : memref<!tpu.dma_semaphore, #tpu.memory_space<semaphore_mem>>)
      %dma_wait3A = arith.constant 0 : i32
      %dma_wait3A_68 = arith.constant 0 : i32
      %dma_wait3A_69 = tpu.memref_slice %arg5[%add3A, %dma_wait3A, %dma_wait3A_68] : memref<32x10x16xf32, #tpu.memory_space<hbm>> -> memref<1x10x16xf32, #tpu.memory_space<hbm>>
      %dma_wait3A_70 = tpu.memref_squeeze %dma_wait3A_69 : memref<1x10x16xf32, #tpu.memory_space<hbm>> -> memref<10x16xf32, #tpu.memory_space<hbm>>
      %dma_wait3A_71 = arith.constant 0 : i32
      %dma_wait3A_72 = arith.constant 0 : i32
      %dma_wait3A_73 = tpu.memref_slice %arg5[%add3A, %dma_wait3A_71, %dma_wait3A_72] : memref<32x10x16xf32, #tpu.memory_space<hbm>> -> memref<1x10x16xf32, #tpu.memory_space<hbm>>
      %dma_wait3A_74 = tpu.memref_squeeze %dma_wait3A_73 : memref<1x10x16xf32, #tpu.memory_space<hbm>> -> memref<10x16xf32, #tpu.memory_space<hbm>>
      tpu.wait_dma2 semaphore(%run_scoped3A : memref<!tpu.dma_semaphore, #tpu.memory_space<semaphore_mem>>) src(%arg11 : memref<10x16xf32, #tpu.memory_space<vmem>>) dst(%dma_wait3A_74 : memref<10x16xf32, #tpu.memory_space<hbm>>)
      tpu.yield
    }) : () -> ()
    return
  }
}

module attributes {stable_mosaic.version = 14 : i64} {
  func.func @body(%arg0: memref<32x10x16xf32, #tpu.memory_space<vmem>>, %arg1: memref<f32, #tpu.memory_space<smem>>, %arg2: memref<f32, #tpu.memory_space<smem>>) attributes {dimension_semantics = [], scalar_prefetch = 0 : i64, scratch_operands = 0 : i64, tpu.core_type = #tpu.core_type<tc>} {
    %get3A = arith.constant 0 : index
    %get3A_0 = arith.constant 0 : index
    %get3A_1 = arith.constant 0 : index
    %get3A_2 = vector.load %arg0[%get3A, %get3A_0, %get3A_1] : memref<32x10x16xf32, #tpu.memory_space<vmem>>, vector<32x10x16xf32>
    %slice3A = vector.extract_strided_slice %get3A_2 {offsets = [0, 0, 0], sizes = [32, 8, 16], strides = [1, 1, 1]} : vector<32x10x16xf32> to vector<32x8x16xf32>
    %reduce_sum3A = arith.constant dense<0.000000e+00> : vector<32x8xf32>
    %reduce_sum3A_3 = vector.multi_reduction <add>, %slice3A, %reduce_sum3A [2] : vector<32x8x16xf32> to vector<32x8xf32>
    %slice3A_4 = vector.extract_strided_slice %get3A_2 {offsets = [0, 8, 0], sizes = [32, 1, 16], strides = [1, 1, 1]} : vector<32x10x16xf32> to vector<32x1x16xf32>
    %reshape3A = vector.shape_cast %slice3A_4 : vector<32x1x16xf32> to vector<32x16xf32>
    %slice3A_5 = vector.extract_strided_slice %get3A_2 {offsets = [0, 9, 0], sizes = [32, 1, 16], strides = [1, 1, 1]} : vector<32x10x16xf32> to vector<32x1x16xf32>
    %reshape3A_6 = vector.shape_cast %slice3A_5 : vector<32x1x16xf32> to vector<32x16xf32>
    %iota3A = tpu.iota {dimensions = array<i32: 0>} : vector<4x32xi32>
    %iota3A_7 = tpu.iota {dimensions = array<i32: 1>} : vector<4x32xi32>
    %jit3A = arith.constant 8 : i32
    %div3A = vector.broadcast %jit3A : i32 to vector<4x32xi32>
    %div3A_8 = arith.divsi %iota3A_7, %div3A : vector<4x32xi32>
    %sign3A = arith.constant 0 : i32
    %sign3A_9 = vector.broadcast %sign3A : i32 to vector<4x32xi32>
    %sign3A_10 = arith.cmpi sgt, %iota3A_7, %sign3A_9 : vector<4x32xi32>
    %sign3A_11 = arith.extui %sign3A_10 : vector<4x32xi1> to vector<4x32xi32>
    %sign3A_12 = arith.constant 0 : i32
    %sign3A_13 = vector.broadcast %sign3A_12 : i32 to vector<4x32xi32>
    %sign3A_14 = arith.cmpi slt, %iota3A_7, %sign3A_13 : vector<4x32xi32>
    %sign3A_15 = arith.extui %sign3A_14 : vector<4x32xi1> to vector<4x32xi32>
    %sign3A_16 = arith.subi %sign3A_11, %sign3A_15 : vector<4x32xi32>
    %sign3A_17 = arith.constant 0 : i32
    %sign3A_18 = arith.cmpi sgt, %jit3A, %sign3A_17 : i32
    %sign3A_19 = arith.extui %sign3A_18 : i1 to i32
    %sign3A_20 = arith.constant 0 : i32
    %sign3A_21 = arith.cmpi slt, %jit3A, %sign3A_20 : i32
    %sign3A_22 = arith.extui %sign3A_21 : i1 to i32
    %sign3A_23 = arith.subi %sign3A_19, %sign3A_22 : i32
    %ne3A = vector.broadcast %sign3A_23 : i32 to vector<4x32xi32>
    %ne3A_24 = arith.cmpi ne, %sign3A_16, %ne3A : vector<4x32xi32>
    %rem3A = vector.broadcast %jit3A : i32 to vector<4x32xi32>
    %rem3A_25 = arith.remsi %iota3A_7, %rem3A : vector<4x32xi32>
    %ne3A_26 = arith.constant 0 : i32
    %ne3A_27 = vector.broadcast %ne3A_26 : i32 to vector<4x32xi32>
    %ne3A_28 = arith.cmpi ne, %rem3A_25, %ne3A_27 : vector<4x32xi32>
    %and3A = arith.andi %ne3A_24, %ne3A_28 : vector<4x32xi1>
    %sub3A = arith.constant 1 : i32
    %sub3A_29 = vector.broadcast %sub3A : i32 to vector<4x32xi32>
    %sub3A_30 = arith.subi %div3A_8, %sub3A_29 : vector<4x32xi32>
    %select_n3A = arith.select %and3A, %sub3A_30, %div3A_8 : vector<4x32xi1>, vector<4x32xi32>
    %eq3A = arith.cmpi eq, %select_n3A, %iota3A : vector<4x32xi32>
    %convert_element_type3A = arith.extui %eq3A : vector<4x32xi1> to vector<4x32xi32>
    %convert_element_type3A_31 = arith.sitofp %convert_element_type3A : vector<4x32xi32> to vector<4x32xf32>
    %dot_general3A = arith.constant dense<0.000000e+00> : vector<4x8xf32>
    %dot_general3A_32 = tpu.matmul %convert_element_type3A_31, %reduce_sum3A_3, %dot_general3A {dimension_numbers = #tpu.dot_dimension_numbers<[1], [0], [0], [1], [0, 0, 1, 1], [], []>, transpose_lhs_hint = false} : vector<4x32xf32>, vector<32x8xf32>, vector<4x8xf32> -> vector<4x8xf32>
    %mul3A = arith.constant 1.22070313E-4 : f32
    %mul3A_33 = vector.broadcast %mul3A : f32 to vector<4x8xf32>
    %mul3A_34 = arith.mulf %dot_general3A_32, %mul3A_33 : vector<4x8xf32>
    %dot_general3A_35 = arith.constant dense<0.000000e+00> : vector<4x16xf32>
    %dot_general3A_36 = tpu.matmul %convert_element_type3A_31, %reshape3A, %dot_general3A_35 {dimension_numbers = #tpu.dot_dimension_numbers<[1], [0], [0], [1], [0, 0, 1, 1], [], []>, transpose_lhs_hint = false} : vector<4x32xf32>, vector<32x16xf32>, vector<4x16xf32> -> vector<4x16xf32>
    %slice3A_37 = vector.extract_strided_slice %dot_general3A_36 {offsets = [0, 0], sizes = [4, 8], strides = [1, 1]} : vector<4x16xf32> to vector<4x8xf32>
    %mul3A_38 = arith.constant 4.8828125E-4 : f32
    %mul3A_39 = vector.broadcast %mul3A_38 : f32 to vector<4x8xf32>
    %mul3A_40 = arith.mulf %slice3A_37, %mul3A_39 : vector<4x8xf32>
    %dot_general3A_41 = arith.constant dense<0.000000e+00> : vector<4x16xf32>
    %dot_general3A_42 = tpu.matmul %convert_element_type3A_31, %reshape3A_6, %dot_general3A_41 {dimension_numbers = #tpu.dot_dimension_numbers<[1], [0], [0], [1], [0, 0, 1, 1], [], []>, transpose_lhs_hint = false} : vector<4x32xf32>, vector<32x16xf32>, vector<4x16xf32> -> vector<4x16xf32>
    %slice3A_43 = vector.extract_strided_slice %dot_general3A_42 {offsets = [0, 0], sizes = [4, 4], strides = [1, 1]} : vector<4x16xf32> to vector<4x4xf32>
    %mul3A_44 = arith.constant 4.8828125E-4 : f32
    %mul3A_45 = vector.broadcast %mul3A_44 : f32 to vector<4x4xf32>
    %mul3A_46 = arith.mulf %slice3A_43, %mul3A_45 : vector<4x4xf32>
    %iota3A_47 = tpu.iota {dimensions = array<i32: 0>} : vector<8x4xi32>
    %iota3A_48 = tpu.iota {dimensions = array<i32: 1>} : vector<8x4xi32>
    %jit3A_49 = arith.constant 2 : i32
    %div3A_50 = vector.broadcast %jit3A_49 : i32 to vector<8x4xi32>
    %div3A_51 = arith.divsi %iota3A_47, %div3A_50 : vector<8x4xi32>
    %sign3A_52 = arith.constant 0 : i32
    %sign3A_53 = vector.broadcast %sign3A_52 : i32 to vector<8x4xi32>
    %sign3A_54 = arith.cmpi sgt, %iota3A_47, %sign3A_53 : vector<8x4xi32>
    %sign3A_55 = arith.extui %sign3A_54 : vector<8x4xi1> to vector<8x4xi32>
    %sign3A_56 = arith.constant 0 : i32
    %sign3A_57 = vector.broadcast %sign3A_56 : i32 to vector<8x4xi32>
    %sign3A_58 = arith.cmpi slt, %iota3A_47, %sign3A_57 : vector<8x4xi32>
    %sign3A_59 = arith.extui %sign3A_58 : vector<8x4xi1> to vector<8x4xi32>
    %sign3A_60 = arith.subi %sign3A_55, %sign3A_59 : vector<8x4xi32>
    %sign3A_61 = arith.constant 0 : i32
    %sign3A_62 = arith.cmpi sgt, %jit3A_49, %sign3A_61 : i32
    %sign3A_63 = arith.extui %sign3A_62 : i1 to i32
    %sign3A_64 = arith.constant 0 : i32
    %sign3A_65 = arith.cmpi slt, %jit3A_49, %sign3A_64 : i32
    %sign3A_66 = arith.extui %sign3A_65 : i1 to i32
    %sign3A_67 = arith.subi %sign3A_63, %sign3A_66 : i32
    %ne3A_68 = vector.broadcast %sign3A_67 : i32 to vector<8x4xi32>
    %ne3A_69 = arith.cmpi ne, %sign3A_60, %ne3A_68 : vector<8x4xi32>
    %rem3A_70 = vector.broadcast %jit3A_49 : i32 to vector<8x4xi32>
    %rem3A_71 = arith.remsi %iota3A_47, %rem3A_70 : vector<8x4xi32>
    %ne3A_72 = arith.constant 0 : i32
    %ne3A_73 = vector.broadcast %ne3A_72 : i32 to vector<8x4xi32>
    %ne3A_74 = arith.cmpi ne, %rem3A_71, %ne3A_73 : vector<8x4xi32>
    %and3A_75 = arith.andi %ne3A_69, %ne3A_74 : vector<8x4xi1>
    %sub3A_76 = arith.constant 1 : i32
    %sub3A_77 = vector.broadcast %sub3A_76 : i32 to vector<8x4xi32>
    %sub3A_78 = arith.subi %div3A_51, %sub3A_77 : vector<8x4xi32>
    %select_n3A_79 = arith.select %and3A_75, %sub3A_78, %div3A_51 : vector<8x4xi1>, vector<8x4xi32>
    %eq3A_80 = arith.cmpi eq, %select_n3A_79, %iota3A_48 : vector<8x4xi32>
    %convert_element_type3A_81 = arith.extui %eq3A_80 : vector<8x4xi1> to vector<8x4xi32>
    %convert_element_type3A_82 = arith.sitofp %convert_element_type3A_81 : vector<8x4xi32> to vector<8x4xf32>
    %dot_general3A_83 = arith.constant dense<0.000000e+00> : vector<4x4xf32>
    %dot_general3A_84 = tpu.matmul %mul3A_34, %convert_element_type3A_82, %dot_general3A_83 {dimension_numbers = #tpu.dot_dimension_numbers<[1], [0], [0], [1], [0, 0, 1, 1], [], []>, transpose_lhs_hint = false} : vector<4x8xf32>, vector<8x4xf32>, vector<4x4xf32> -> vector<4x4xf32>
    %dot_general3A_85 = arith.constant dense<0.000000e+00> : vector<4x4xf32>
    %dot_general3A_86 = tpu.matmul %mul3A_40, %convert_element_type3A_82, %dot_general3A_85 {dimension_numbers = #tpu.dot_dimension_numbers<[1], [0], [0], [1], [0, 0, 1, 1], [], []>, transpose_lhs_hint = false} : vector<4x8xf32>, vector<8x4xf32>, vector<4x4xf32> -> vector<4x4xf32>
    %mul3A_87 = arith.constant 5.000000e-01 : f32
    %mul3A_88 = vector.broadcast %mul3A_87 : f32 to vector<4x4xf32>
    %mul3A_89 = arith.mulf %dot_general3A_86, %mul3A_88 : vector<4x4xf32>
    %mul3A_90 = arith.mulf %mul3A_89, %dot_general3A_84 : vector<4x4xf32>
    %reduce_sum3A_91 = vector.shape_cast %mul3A_90 : vector<4x4xf32> to vector<1x4x4xf32>
    %reduce_sum3A_92 = arith.constant dense<0.000000e+00> : vector<1xf32>
    %reduce_sum3A_93 = vector.multi_reduction <add>, %reduce_sum3A_91, %reduce_sum3A_92 [1, 2] : vector<1x4x4xf32> to vector<1xf32>
    %reduce_sum3A_94 = vector.shape_cast %reduce_sum3A_93 : vector<1xf32> to vector<1x1x1xf32>
    %reduce_sum3A_95 = vector.extract %reduce_sum3A_94[0, 0, 0] : f32 from vector<1x1x1xf32>
    %mul3A_96 = arith.constant 2.500000e-04 : f32
    %mul3A_97 = arith.mulf %reduce_sum3A_95, %mul3A_96 : f32
    %mul3A_98 = arith.mulf %mul3A_46, %dot_general3A_84 : vector<4x4xf32>
    %reduce_sum3A_99 = vector.shape_cast %mul3A_98 : vector<4x4xf32> to vector<1x4x4xf32>
    %reduce_sum3A_100 = arith.constant dense<0.000000e+00> : vector<1xf32>
    %reduce_sum3A_101 = vector.multi_reduction <add>, %reduce_sum3A_99, %reduce_sum3A_100 [1, 2] : vector<1x4x4xf32> to vector<1xf32>
    %reduce_sum3A_102 = vector.shape_cast %reduce_sum3A_101 : vector<1xf32> to vector<1x1x1xf32>
    %reduce_sum3A_103 = vector.extract %reduce_sum3A_102[0, 0, 0] : f32 from vector<1x1x1xf32>
    %mul3A_104 = arith.constant 2.500000e-04 : f32
    %mul3A_105 = arith.mulf %reduce_sum3A_103, %mul3A_104 : f32
    %swap3A = memref.load %arg1[] : memref<f32, #tpu.memory_space<smem>>
    memref.store %mul3A_97, %arg1[] : memref<f32, #tpu.memory_space<smem>>
    %swap3A_106 = memref.load %arg2[] : memref<f32, #tpu.memory_space<smem>>
    memref.store %mul3A_105, %arg2[] : memref<f32, #tpu.memory_space<smem>>
    return
  }
}

module attributes {stable_mosaic.version = 14 : i64} {
  func.func @body(%arg0: memref<8x12xf32, #tpu.memory_space<vmem>>, %arg1: memref<32768x12xf32, #tpu.memory_space<vmem>>, %arg2: memref<32x8x1024xf32, #tpu.memory_space<vmem>>) attributes {dimension_semantics = [], scalar_prefetch = 0 : i64, scratch_operands = 0 : i64, tpu.core_type = #tpu.core_type<tc>} {
    %get3A = arith.constant 0 : index
    %get3A_0 = arith.constant 0 : index
    %get3A_1 = vector.load %arg0[%get3A, %get3A_0] : memref<8x12xf32, #tpu.memory_space<vmem>>, vector<8x12xf32>
    %get3A_2 = arith.constant 0 : index
    %get3A_3 = arith.constant 0 : index
    %get3A_4 = vector.load %arg1[%get3A_2, %get3A_3] : memref<32768x12xf32, #tpu.memory_space<vmem>>, vector<32768x12xf32>
    %dot_general3A = arith.constant dense<0.000000e+00> : vector<8x32768xf32>
    %dot_general3A_5 = tpu.matmul %get3A_1, %get3A_4, %dot_general3A {dimension_numbers = #tpu.dot_dimension_numbers<[1], [1], [0], [0], [0, 0, 1, 0], [], []>, transpose_lhs_hint = false} : vector<8x12xf32>, vector<32768x12xf32>, vector<8x32768xf32> -> vector<8x32768xf32>
    %slice3A = vector.extract_strided_slice %dot_general3A_5 {offsets = [0, 0], sizes = [8, 1024], strides = [1, 1]} : vector<8x32768xf32> to vector<8x1024xf32>
    %swap3A = arith.constant 0 : index
    %swap3A_6 = arith.constant 0 : index
    %swap3A_7 = arith.constant 0 : index
    %swap3A_8 = vector.load %arg2[%swap3A, %swap3A_6, %swap3A_7] : memref<32x8x1024xf32, #tpu.memory_space<vmem>>, vector<1x8x1024xf32>
    %swap3A_9 = vector.shape_cast %swap3A_8 : vector<1x8x1024xf32> to vector<8x1024xf32>
    %swap3A_10 = vector.shape_cast %slice3A : vector<8x1024xf32> to vector<1x8x1024xf32>
    tpu.vector_store %arg2[%swap3A, %swap3A_6, %swap3A_7], %swap3A_10 {strides = array<i32>} : memref<32x8x1024xf32, #tpu.memory_space<vmem>>, vector<1x8x1024xf32>,
    %slice3A_11 = vector.extract_strided_slice %dot_general3A_5 {offsets = [0, 1024], sizes = [8, 1024], strides = [1, 1]} : vector<8x32768xf32> to vector<8x1024xf32>
    %swap3A_12 = arith.constant 1 : index
    %swap3A_13 = arith.constant 0 : index
    %swap3A_14 = arith.constant 0 : index
    %swap3A_15 = vector.load %arg2[%swap3A_12, %swap3A_13, %swap3A_14] : memref<32x8x1024xf32, #tpu.memory_space<vmem>>, vector<1x8x1024xf32>
    %swap3A_16 = vector.shape_cast %swap3A_15 : vector<1x8x1024xf32> to vector<8x1024xf32>
    %swap3A_17 = vector.shape_cast %slice3A_11 : vector<8x1024xf32> to vector<1x8x1024xf32>
    tpu.vector_store %arg2[%swap3A_12, %swap3A_13, %swap3A_14], %swap3A_17 {strides = array<i32>} : memref<32x8x1024xf32, #tpu.memory_space<vmem>>, vector<1x8x1024xf32>,
    %slice3A_18 = vector.extract_strided_slice %dot_general3A_5 {offsets = [0, 2048], sizes = [8, 1024], strides = [1, 1]} : vector<8x32768xf32> to vector<8x1024xf32>
    %swap3A_19 = arith.constant 2 : index
    %swap3A_20 = arith.constant 0 : index
    %swap3A_21 = arith.constant 0 : index
    %swap3A_22 = vector.load %arg2[%swap3A_19, %swap3A_20, %swap3A_21] : memref<32x8x1024xf32, #tpu.memory_space<vmem>>, vector<1x8x1024xf32>
    %swap3A_23 = vector.shape_cast %swap3A_22 : vector<1x8x1024xf32> to vector<8x1024xf32>
    %swap3A_24 = vector.shape_cast %slice3A_18 : vector<8x1024xf32> to vector<1x8x1024xf32>
    tpu.vector_store %arg2[%swap3A_19, %swap3A_20, %swap3A_21], %swap3A_24 {strides = array<i32>} : memref<32x8x1024xf32, #tpu.memory_space<vmem>>, vector<1x8x1024xf32>,
    %slice3A_25 = vector.extract_strided_slice %dot_general3A_5 {offsets = [0, 3072], sizes = [8, 1024], strides = [1, 1]} : vector<8x32768xf32> to vector<8x1024xf32>
    %swap3A_26 = arith.constant 3 : index
    %swap3A_27 = arith.constant 0 : index
    %swap3A_28 = arith.constant 0 : index
    %swap3A_29 = vector.load %arg2[%swap3A_26, %swap3A_27, %swap3A_28] : memref<32x8x1024xf32, #tpu.memory_space<vmem>>, vector<1x8x1024xf32>
    %swap3A_30 = vector.shape_cast %swap3A_29 : vector<1x8x1024xf32> to vector<8x1024xf32>
    %swap3A_31 = vector.shape_cast %slice3A_25 : vector<8x1024xf32> to vector<1x8x1024xf32>
    tpu.vector_store %arg2[%swap3A_26, %swap3A_27, %swap3A_28], %swap3A_31 {strides = array<i32>} : memref<32x8x1024xf32, #tpu.memory_space<vmem>>, vector<1x8x1024xf32>,
    %slice3A_32 = vector.extract_strided_slice %dot_general3A_5 {offsets = [0, 4096], sizes = [8, 1024], strides = [1, 1]} : vector<8x32768xf32> to vector<8x1024xf32>
    %swap3A_33 = arith.constant 4 : index
    %swap3A_34 = arith.constant 0 : index
    %swap3A_35 = arith.constant 0 : index
    %swap3A_36 = vector.load %arg2[%swap3A_33, %swap3A_34, %swap3A_35] : memref<32x8x1024xf32, #tpu.memory_space<vmem>>, vector<1x8x1024xf32>
    %swap3A_37 = vector.shape_cast %swap3A_36 : vector<1x8x1024xf32> to vector<8x1024xf32>
    %swap3A_38 = vector.shape_cast %slice3A_32 : vector<8x1024xf32> to vector<1x8x1024xf32>
    tpu.vector_store %arg2[%swap3A_33, %swap3A_34, %swap3A_35], %swap3A_38 {strides = array<i32>} : memref<32x8x1024xf32, #tpu.memory_space<vmem>>, vector<1x8x1024xf32>,
    %slice3A_39 = vector.extract_strided_slice %dot_general3A_5 {offsets = [0, 5120], sizes = [8, 1024], strides = [1, 1]} : vector<8x32768xf32> to vector<8x1024xf32>
    %swap3A_40 = arith.constant 5 : index
    %swap3A_41 = arith.constant 0 : index
    %swap3A_42 = arith.constant 0 : index
    %swap3A_43 = vector.load %arg2[%swap3A_40, %swap3A_41, %swap3A_42] : memref<32x8x1024xf32, #tpu.memory_space<vmem>>, vector<1x8x1024xf32>
    %swap3A_44 = vector.shape_cast %swap3A_43 : vector<1x8x1024xf32> to vector<8x1024xf32>
    %swap3A_45 = vector.shape_cast %slice3A_39 : vector<8x1024xf32> to vector<1x8x1024xf32>
    tpu.vector_store %arg2[%swap3A_40, %swap3A_41, %swap3A_42], %swap3A_45 {strides = array<i32>} : memref<32x8x1024xf32, #tpu.memory_space<vmem>>, vector<1x8x1024xf32>,
    %slice3A_46 = vector.extract_strided_slice %dot_general3A_5 {offsets = [0, 6144], sizes = [8, 1024], strides = [1, 1]} : vector<8x32768xf32> to vector<8x1024xf32>
    %swap3A_47 = arith.constant 6 : index
    %swap3A_48 = arith.constant 0 : index
    %swap3A_49 = arith.constant 0 : index
    %swap3A_50 = vector.load %arg2[%swap3A_47, %swap3A_48, %swap3A_49] : memref<32x8x1024xf32, #tpu.memory_space<vmem>>, vector<1x8x1024xf32>
    %swap3A_51 = vector.shape_cast %swap3A_50 : vector<1x8x1024xf32> to vector<8x1024xf32>
    %swap3A_52 = vector.shape_cast %slice3A_46 : vector<8x1024xf32> to vector<1x8x1024xf32>
    tpu.vector_store %arg2[%swap3A_47, %swap3A_48, %swap3A_49], %swap3A_52 {strides = array<i32>} : memref<32x8x1024xf32, #tpu.memory_space<vmem>>, vector<1x8x1024xf32>,
    %slice3A_53 = vector.extract_strided_slice %dot_general3A_5 {offsets = [0, 7168], sizes = [8, 1024], strides = [1, 1]} : vector<8x32768xf32> to vector<8x1024xf32>
    %swap3A_54 = arith.constant 7 : index
    %swap3A_55 = arith.constant 0 : index
    %swap3A_56 = arith.constant 0 : index
    %swap3A_57 = vector.load %arg2[%swap3A_54, %swap3A_55, %swap3A_56] : memref<32x8x1024xf32, #tpu.memory_space<vmem>>, vector<1x8x1024xf32>
    %swap3A_58 = vector.shape_cast %swap3A_57 : vector<1x8x1024xf32> to vector<8x1024xf32>
    %swap3A_59 = vector.shape_cast %slice3A_53 : vector<8x1024xf32> to vector<1x8x1024xf32>
    tpu.vector_store %arg2[%swap3A_54, %swap3A_55, %swap3A_56], %swap3A_59 {strides = array<i32>} : memref<32x8x1024xf32, #tpu.memory_space<vmem>>, vector<1x8x1024xf32>,
    %slice3A_60 = vector.extract_strided_slice %dot_general3A_5 {offsets = [0, 8192], sizes = [8, 1024], strides = [1, 1]} : vector<8x32768xf32> to vector<8x1024xf32>
    %swap3A_61 = arith.constant 8 : index
    %swap3A_62 = arith.constant 0 : index
    %swap3A_63 = arith.constant 0 : index
    %swap3A_64 = vector.load %arg2[%swap3A_61, %swap3A_62, %swap3A_63] : memref<32x8x1024xf32, #tpu.memory_space<vmem>>, vector<1x8x1024xf32>
    %swap3A_65 = vector.shape_cast %swap3A_64 : vector<1x8x1024xf32> to vector<8x1024xf32>
    %swap3A_66 = vector.shape_cast %slice3A_60 : vector<8x1024xf32> to vector<1x8x1024xf32>
    tpu.vector_store %arg2[%swap3A_61, %swap3A_62, %swap3A_63], %swap3A_66 {strides = array<i32>} : memref<32x8x1024xf32, #tpu.memory_space<vmem>>, vector<1x8x1024xf32>,
    %slice3A_67 = vector.extract_strided_slice %dot_general3A_5 {offsets = [0, 9216], sizes = [8, 1024], strides = [1, 1]} : vector<8x32768xf32> to vector<8x1024xf32>
    %swap3A_68 = arith.constant 9 : index
    %swap3A_69 = arith.constant 0 : index
    %swap3A_70 = arith.constant 0 : index
    %swap3A_71 = vector.load %arg2[%swap3A_68, %swap3A_69, %swap3A_70] : memref<32x8x1024xf32, #tpu.memory_space<vmem>>, vector<1x8x1024xf32>
    %swap3A_72 = vector.shape_cast %swap3A_71 : vector<1x8x1024xf32> to vector<8x1024xf32>
    %swap3A_73 = vector.shape_cast %slice3A_67 : vector<8x1024xf32> to vector<1x8x1024xf32>
    tpu.vector_store %arg2[%swap3A_68, %swap3A_69, %swap3A_70], %swap3A_73 {strides = array<i32>} : memref<32x8x1024xf32, #tpu.memory_space<vmem>>, vector<1x8x1024xf32>,
    %slice3A_74 = vector.extract_strided_slice %dot_general3A_5 {offsets = [0, 10240], sizes = [8, 1024], strides = [1, 1]} : vector<8x32768xf32> to vector<8x1024xf32>
    %swap3A_75 = arith.constant 10 : index
    %swap3A_76 = arith.constant 0 : index
    %swap3A_77 = arith.constant 0 : index
    %swap3A_78 = vector.load %arg2[%swap3A_75, %swap3A_76, %swap3A_77] : memref<32x8x1024xf32, #tpu.memory_space<vmem>>, vector<1x8x1024xf32>
    %swap3A_79 = vector.shape_cast %swap3A_78 : vector<1x8x1024xf32> to vector<8x1024xf32>
    %swap3A_80 = vector.shape_cast %slice3A_74 : vector<8x1024xf32> to vector<1x8x1024xf32>
    tpu.vector_store %arg2[%swap3A_75, %swap3A_76, %swap3A_77], %swap3A_80 {strides = array<i32>} : memref<32x8x1024xf32, #tpu.memory_space<vmem>>, vector<1x8x1024xf32>,
    %slice3A_81 = vector.extract_strided_slice %dot_general3A_5 {offsets = [0, 11264], sizes = [8, 1024], strides = [1, 1]} : vector<8x32768xf32> to vector<8x1024xf32>
    %swap3A_82 = arith.constant 11 : index
    %swap3A_83 = arith.constant 0 : index
    %swap3A_84 = arith.constant 0 : index
    %swap3A_85 = vector.load %arg2[%swap3A_82, %swap3A_83, %swap3A_84] : memref<32x8x1024xf32, #tpu.memory_space<vmem>>, vector<1x8x1024xf32>
    %swap3A_86 = vector.shape_cast %swap3A_85 : vector<1x8x1024xf32> to vector<8x1024xf32>
    %swap3A_87 = vector.shape_cast %slice3A_81 : vector<8x1024xf32> to vector<1x8x1024xf32>
    tpu.vector_store %arg2[%swap3A_82, %swap3A_83, %swap3A_84], %swap3A_87 {strides = array<i32>} : memref<32x8x1024xf32, #tpu.memory_space<vmem>>, vector<1x8x1024xf32>,
    %slice3A_88 = vector.extract_strided_slice %dot_general3A_5 {offsets = [0, 12288], sizes = [8, 1024], strides = [1, 1]} : vector<8x32768xf32> to vector<8x1024xf32>
    %swap3A_89 = arith.constant 12 : index
    %swap3A_90 = arith.constant 0 : index
    %swap3A_91 = arith.constant 0 : index
    %swap3A_92 = vector.load %arg2[%swap3A_89, %swap3A_90, %swap3A_91] : memref<32x8x1024xf32, #tpu.memory_space<vmem>>, vector<1x8x1024xf32>
    %swap3A_93 = vector.shape_cast %swap3A_92 : vector<1x8x1024xf32> to vector<8x1024xf32>
    %swap3A_94 = vector.shape_cast %slice3A_88 : vector<8x1024xf32> to vector<1x8x1024xf32>
    tpu.vector_store %arg2[%swap3A_89, %swap3A_90, %swap3A_91], %swap3A_94 {strides = array<i32>} : memref<32x8x1024xf32, #tpu.memory_space<vmem>>, vector<1x8x1024xf32>,
    %slice3A_95 = vector.extract_strided_slice %dot_general3A_5 {offsets = [0, 13312], sizes = [8, 1024], strides = [1, 1]} : vector<8x32768xf32> to vector<8x1024xf32>
    %swap3A_96 = arith.constant 13 : index
    %swap3A_97 = arith.constant 0 : index
    %swap3A_98 = arith.constant 0 : index
    %swap3A_99 = vector.load %arg2[%swap3A_96, %swap3A_97, %swap3A_98] : memref<32x8x1024xf32, #tpu.memory_space<vmem>>, vector<1x8x1024xf32>
    %swap3A_100 = vector.shape_cast %swap3A_99 : vector<1x8x1024xf32> to vector<8x1024xf32>
    %swap3A_101 = vector.shape_cast %slice3A_95 : vector<8x1024xf32> to vector<1x8x1024xf32>
    tpu.vector_store %arg2[%swap3A_96, %swap3A_97, %swap3A_98], %swap3A_101 {strides = array<i32>} : memref<32x8x1024xf32, #tpu.memory_space<vmem>>, vector<1x8x1024xf32>,
    %slice3A_102 = vector.extract_strided_slice %dot_general3A_5 {offsets = [0, 14336], sizes = [8, 1024], strides = [1, 1]} : vector<8x32768xf32> to vector<8x1024xf32>
    %swap3A_103 = arith.constant 14 : index
    %swap3A_104 = arith.constant 0 : index
    %swap3A_105 = arith.constant 0 : index
    %swap3A_106 = vector.load %arg2[%swap3A_103, %swap3A_104, %swap3A_105] : memref<32x8x1024xf32, #tpu.memory_space<vmem>>, vector<1x8x1024xf32>
    %swap3A_107 = vector.shape_cast %swap3A_106 : vector<1x8x1024xf32> to vector<8x1024xf32>
    %swap3A_108 = vector.shape_cast %slice3A_102 : vector<8x1024xf32> to vector<1x8x1024xf32>
    tpu.vector_store %arg2[%swap3A_103, %swap3A_104, %swap3A_105], %swap3A_108 {strides = array<i32>} : memref<32x8x1024xf32, #tpu.memory_space<vmem>>, vector<1x8x1024xf32>,
    %slice3A_109 = vector.extract_strided_slice %dot_general3A_5 {offsets = [0, 15360], sizes = [8, 1024], strides = [1, 1]} : vector<8x32768xf32> to vector<8x1024xf32>
    %swap3A_110 = arith.constant 15 : index
    %swap3A_111 = arith.constant 0 : index
    %swap3A_112 = arith.constant 0 : index
    %swap3A_113 = vector.load %arg2[%swap3A_110, %swap3A_111, %swap3A_112] : memref<32x8x1024xf32, #tpu.memory_space<vmem>>, vector<1x8x1024xf32>
    %swap3A_114 = vector.shape_cast %swap3A_113 : vector<1x8x1024xf32> to vector<8x1024xf32>
    %swap3A_115 = vector.shape_cast %slice3A_109 : vector<8x1024xf32> to vector<1x8x1024xf32>
    tpu.vector_store %arg2[%swap3A_110, %swap3A_111, %swap3A_112], %swap3A_115 {strides = array<i32>} : memref<32x8x1024xf32, #tpu.memory_space<vmem>>, vector<1x8x1024xf32>,
    %slice3A_116 = vector.extract_strided_slice %dot_general3A_5 {offsets = [0, 16384], sizes = [8, 1024], strides = [1, 1]} : vector<8x32768xf32> to vector<8x1024xf32>
    %swap3A_117 = arith.constant 16 : index
    %swap3A_118 = arith.constant 0 : index
    %swap3A_119 = arith.constant 0 : index
    %swap3A_120 = vector.load %arg2[%swap3A_117, %swap3A_118, %swap3A_119] : memref<32x8x1024xf32, #tpu.memory_space<vmem>>, vector<1x8x1024xf32>
    %swap3A_121 = vector.shape_cast %swap3A_120 : vector<1x8x1024xf32> to vector<8x1024xf32>
    %swap3A_122 = vector.shape_cast %slice3A_116 : vector<8x1024xf32> to vector<1x8x1024xf32>
    tpu.vector_store %arg2[%swap3A_117, %swap3A_118, %swap3A_119], %swap3A_122 {strides = array<i32>} : memref<32x8x1024xf32, #tpu.memory_space<vmem>>, vector<1x8x1024xf32>,
    %slice3A_123 = vector.extract_strided_slice %dot_general3A_5 {offsets = [0, 17408], sizes = [8, 1024], strides = [1, 1]} : vector<8x32768xf32> to vector<8x1024xf32>
    %swap3A_124 = arith.constant 17 : index
    %swap3A_125 = arith.constant 0 : index
    %swap3A_126 = arith.constant 0 : index
    %swap3A_127 = vector.load %arg2[%swap3A_124, %swap3A_125, %swap3A_126] : memref<32x8x1024xf32, #tpu.memory_space<vmem>>, vector<1x8x1024xf32>
    %swap3A_128 = vector.shape_cast %swap3A_127 : vector<1x8x1024xf32> to vector<8x1024xf32>
    %swap3A_129 = vector.shape_cast %slice3A_123 : vector<8x1024xf32> to vector<1x8x1024xf32>
    tpu.vector_store %arg2[%swap3A_124, %swap3A_125, %swap3A_126], %swap3A_129 {strides = array<i32>} : memref<32x8x1024xf32, #tpu.memory_space<vmem>>, vector<1x8x1024xf32>,
    %slice3A_130 = vector.extract_strided_slice %dot_general3A_5 {offsets = [0, 18432], sizes = [8, 1024], strides = [1, 1]} : vector<8x32768xf32> to vector<8x1024xf32>
    %swap3A_131 = arith.constant 18 : index
    %swap3A_132 = arith.constant 0 : index
    %swap3A_133 = arith.constant 0 : index
    %swap3A_134 = vector.load %arg2[%swap3A_131, %swap3A_132, %swap3A_133] : memref<32x8x1024xf32, #tpu.memory_space<vmem>>, vector<1x8x1024xf32>
    %swap3A_135 = vector.shape_cast %swap3A_134 : vector<1x8x1024xf32> to vector<8x1024xf32>
    %swap3A_136 = vector.shape_cast %slice3A_130 : vector<8x1024xf32> to vector<1x8x1024xf32>
    tpu.vector_store %arg2[%swap3A_131, %swap3A_132, %swap3A_133], %swap3A_136 {strides = array<i32>} : memref<32x8x1024xf32, #tpu.memory_space<vmem>>, vector<1x8x1024xf32>,
    %slice3A_137 = vector.extract_strided_slice %dot_general3A_5 {offsets = [0, 19456], sizes = [8, 1024], strides = [1, 1]} : vector<8x32768xf32> to vector<8x1024xf32>
    %swap3A_138 = arith.constant 19 : index
    %swap3A_139 = arith.constant 0 : index
    %swap3A_140 = arith.constant 0 : index
    %swap3A_141 = vector.load %arg2[%swap3A_138, %swap3A_139, %swap3A_140] : memref<32x8x1024xf32, #tpu.memory_space<vmem>>, vector<1x8x1024xf32>
    %swap3A_142 = vector.shape_cast %swap3A_141 : vector<1x8x1024xf32> to vector<8x1024xf32>
    %swap3A_143 = vector.shape_cast %slice3A_137 : vector<8x1024xf32> to vector<1x8x1024xf32>
    tpu.vector_store %arg2[%swap3A_138, %swap3A_139, %swap3A_140], %swap3A_143 {strides = array<i32>} : memref<32x8x1024xf32, #tpu.memory_space<vmem>>, vector<1x8x1024xf32>,
    %slice3A_144 = vector.extract_strided_slice %dot_general3A_5 {offsets = [0, 20480], sizes = [8, 1024], strides = [1, 1]} : vector<8x32768xf32> to vector<8x1024xf32>
    %swap3A_145 = arith.constant 20 : index
    %swap3A_146 = arith.constant 0 : index
    %swap3A_147 = arith.constant 0 : index
    %swap3A_148 = vector.load %arg2[%swap3A_145, %swap3A_146, %swap3A_147] : memref<32x8x1024xf32, #tpu.memory_space<vmem>>, vector<1x8x1024xf32>
    %swap3A_149 = vector.shape_cast %swap3A_148 : vector<1x8x1024xf32> to vector<8x1024xf32>
    %swap3A_150 = vector.shape_cast %slice3A_144 : vector<8x1024xf32> to vector<1x8x1024xf32>
    tpu.vector_store %arg2[%swap3A_145, %swap3A_146, %swap3A_147], %swap3A_150 {strides = array<i32>} : memref<32x8x1024xf32, #tpu.memory_space<vmem>>, vector<1x8x1024xf32>,
    %slice3A_151 = vector.extract_strided_slice %dot_general3A_5 {offsets = [0, 21504], sizes = [8, 1024], strides = [1, 1]} : vector<8x32768xf32> to vector<8x1024xf32>
    %swap3A_152 = arith.constant 21 : index
    %swap3A_153 = arith.constant 0 : index
    %swap3A_154 = arith.constant 0 : index
    %swap3A_155 = vector.load %arg2[%swap3A_152, %swap3A_153, %swap3A_154] : memref<32x8x1024xf32, #tpu.memory_space<vmem>>, vector<1x8x1024xf32>
    %swap3A_156 = vector.shape_cast %swap3A_155 : vector<1x8x1024xf32> to vector<8x1024xf32>
    %swap3A_157 = vector.shape_cast %slice3A_151 : vector<8x1024xf32> to vector<1x8x1024xf32>
    tpu.vector_store %arg2[%swap3A_152, %swap3A_153, %swap3A_154], %swap3A_157 {strides = array<i32>} : memref<32x8x1024xf32, #tpu.memory_space<vmem>>, vector<1x8x1024xf32>,
    %slice3A_158 = vector.extract_strided_slice %dot_general3A_5 {offsets = [0, 22528], sizes = [8, 1024], strides = [1, 1]} : vector<8x32768xf32> to vector<8x1024xf32>
    %swap3A_159 = arith.constant 22 : index
    %swap3A_160 = arith.constant 0 : index
    %swap3A_161 = arith.constant 0 : index
    %swap3A_162 = vector.load %arg2[%swap3A_159, %swap3A_160, %swap3A_161] : memref<32x8x1024xf32, #tpu.memory_space<vmem>>, vector<1x8x1024xf32>
    %swap3A_163 = vector.shape_cast %swap3A_162 : vector<1x8x1024xf32> to vector<8x1024xf32>
    %swap3A_164 = vector.shape_cast %slice3A_158 : vector<8x1024xf32> to vector<1x8x1024xf32>
    tpu.vector_store %arg2[%swap3A_159, %swap3A_160, %swap3A_161], %swap3A_164 {strides = array<i32>} : memref<32x8x1024xf32, #tpu.memory_space<vmem>>, vector<1x8x1024xf32>,
    %slice3A_165 = vector.extract_strided_slice %dot_general3A_5 {offsets = [0, 23552], sizes = [8, 1024], strides = [1, 1]} : vector<8x32768xf32> to vector<8x1024xf32>
    %swap3A_166 = arith.constant 23 : index
    %swap3A_167 = arith.constant 0 : index
    %swap3A_168 = arith.constant 0 : index
    %swap3A_169 = vector.load %arg2[%swap3A_166, %swap3A_167, %swap3A_168] : memref<32x8x1024xf32, #tpu.memory_space<vmem>>, vector<1x8x1024xf32>
    %swap3A_170 = vector.shape_cast %swap3A_169 : vector<1x8x1024xf32> to vector<8x1024xf32>
    %swap3A_171 = vector.shape_cast %slice3A_165 : vector<8x1024xf32> to vector<1x8x1024xf32>
    tpu.vector_store %arg2[%swap3A_166, %swap3A_167, %swap3A_168], %swap3A_171 {strides = array<i32>} : memref<32x8x1024xf32, #tpu.memory_space<vmem>>, vector<1x8x1024xf32>,
    %slice3A_172 = vector.extract_strided_slice %dot_general3A_5 {offsets = [0, 24576], sizes = [8, 1024], strides = [1, 1]} : vector<8x32768xf32> to vector<8x1024xf32>
    %swap3A_173 = arith.constant 24 : index
    %swap3A_174 = arith.constant 0 : index
    %swap3A_175 = arith.constant 0 : index
    %swap3A_176 = vector.load %arg2[%swap3A_173, %swap3A_174, %swap3A_175] : memref<32x8x1024xf32, #tpu.memory_space<vmem>>, vector<1x8x1024xf32>
    %swap3A_177 = vector.shape_cast %swap3A_176 : vector<1x8x1024xf32> to vector<8x1024xf32>
    %swap3A_178 = vector.shape_cast %slice3A_172 : vector<8x1024xf32> to vector<1x8x1024xf32>
    tpu.vector_store %arg2[%swap3A_173, %swap3A_174, %swap3A_175], %swap3A_178 {strides = array<i32>} : memref<32x8x1024xf32, #tpu.memory_space<vmem>>, vector<1x8x1024xf32>,
    %slice3A_179 = vector.extract_strided_slice %dot_general3A_5 {offsets = [0, 25600], sizes = [8, 1024], strides = [1, 1]} : vector<8x32768xf32> to vector<8x1024xf32>
    %swap3A_180 = arith.constant 25 : index
    %swap3A_181 = arith.constant 0 : index
    %swap3A_182 = arith.constant 0 : index
    %swap3A_183 = vector.load %arg2[%swap3A_180, %swap3A_181, %swap3A_182] : memref<32x8x1024xf32, #tpu.memory_space<vmem>>, vector<1x8x1024xf32>
    %swap3A_184 = vector.shape_cast %swap3A_183 : vector<1x8x1024xf32> to vector<8x1024xf32>
    %swap3A_185 = vector.shape_cast %slice3A_179 : vector<8x1024xf32> to vector<1x8x1024xf32>
    tpu.vector_store %arg2[%swap3A_180, %swap3A_181, %swap3A_182], %swap3A_185 {strides = array<i32>} : memref<32x8x1024xf32, #tpu.memory_space<vmem>>, vector<1x8x1024xf32>,
    %slice3A_186 = vector.extract_strided_slice %dot_general3A_5 {offsets = [0, 26624], sizes = [8, 1024], strides = [1, 1]} : vector<8x32768xf32> to vector<8x1024xf32>
    %swap3A_187 = arith.constant 26 : index
    %swap3A_188 = arith.constant 0 : index
    %swap3A_189 = arith.constant 0 : index
    %swap3A_190 = vector.load %arg2[%swap3A_187, %swap3A_188, %swap3A_189] : memref<32x8x1024xf32, #tpu.memory_space<vmem>>, vector<1x8x1024xf32>
    %swap3A_191 = vector.shape_cast %swap3A_190 : vector<1x8x1024xf32> to vector<8x1024xf32>
    %swap3A_192 = vector.shape_cast %slice3A_186 : vector<8x1024xf32> to vector<1x8x1024xf32>
    tpu.vector_store %arg2[%swap3A_187, %swap3A_188, %swap3A_189], %swap3A_192 {strides = array<i32>} : memref<32x8x1024xf32, #tpu.memory_space<vmem>>, vector<1x8x1024xf32>,
    %slice3A_193 = vector.extract_strided_slice %dot_general3A_5 {offsets = [0, 27648], sizes = [8, 1024], strides = [1, 1]} : vector<8x32768xf32> to vector<8x1024xf32>
    %swap3A_194 = arith.constant 27 : index
    %swap3A_195 = arith.constant 0 : index
    %swap3A_196 = arith.constant 0 : index
    %swap3A_197 = vector.load %arg2[%swap3A_194, %swap3A_195, %swap3A_196] : memref<32x8x1024xf32, #tpu.memory_space<vmem>>, vector<1x8x1024xf32>
    %swap3A_198 = vector.shape_cast %swap3A_197 : vector<1x8x1024xf32> to vector<8x1024xf32>
    %swap3A_199 = vector.shape_cast %slice3A_193 : vector<8x1024xf32> to vector<1x8x1024xf32>
    tpu.vector_store %arg2[%swap3A_194, %swap3A_195, %swap3A_196], %swap3A_199 {strides = array<i32>} : memref<32x8x1024xf32, #tpu.memory_space<vmem>>, vector<1x8x1024xf32>,
    %slice3A_200 = vector.extract_strided_slice %dot_general3A_5 {offsets = [0, 28672], sizes = [8, 1024], strides = [1, 1]} : vector<8x32768xf32> to vector<8x1024xf32>
    %swap3A_201 = arith.constant 28 : index
    %swap3A_202 = arith.constant 0 : index
    %swap3A_203 = arith.constant 0 : index
    %swap3A_204 = vector.load %arg2[%swap3A_201, %swap3A_202, %swap3A_203] : memref<32x8x1024xf32, #tpu.memory_space<vmem>>, vector<1x8x1024xf32>
    %swap3A_205 = vector.shape_cast %swap3A_204 : vector<1x8x1024xf32> to vector<8x1024xf32>
    %swap3A_206 = vector.shape_cast %slice3A_200 : vector<8x1024xf32> to vector<1x8x1024xf32>
    tpu.vector_store %arg2[%swap3A_201, %swap3A_202, %swap3A_203], %swap3A_206 {strides = array<i32>} : memref<32x8x1024xf32, #tpu.memory_space<vmem>>, vector<1x8x1024xf32>,
    %slice3A_207 = vector.extract_strided_slice %dot_general3A_5 {offsets = [0, 29696], sizes = [8, 1024], strides = [1, 1]} : vector<8x32768xf32> to vector<8x1024xf32>
    %swap3A_208 = arith.constant 29 : index
    %swap3A_209 = arith.constant 0 : index
    %swap3A_210 = arith.constant 0 : index
    %swap3A_211 = vector.load %arg2[%swap3A_208, %swap3A_209, %swap3A_210] : memref<32x8x1024xf32, #tpu.memory_space<vmem>>, vector<1x8x1024xf32>
    %swap3A_212 = vector.shape_cast %swap3A_211 : vector<1x8x1024xf32> to vector<8x1024xf32>
    %swap3A_213 = vector.shape_cast %slice3A_207 : vector<8x1024xf32> to vector<1x8x1024xf32>
    tpu.vector_store %arg2[%swap3A_208, %swap3A_209, %swap3A_210], %swap3A_213 {strides = array<i32>} : memref<32x8x1024xf32, #tpu.memory_space<vmem>>, vector<1x8x1024xf32>,
    %slice3A_214 = vector.extract_strided_slice %dot_general3A_5 {offsets = [0, 30720], sizes = [8, 1024], strides = [1, 1]} : vector<8x32768xf32> to vector<8x1024xf32>
    %swap3A_215 = arith.constant 30 : index
    %swap3A_216 = arith.constant 0 : index
    %swap3A_217 = arith.constant 0 : index
    %swap3A_218 = vector.load %arg2[%swap3A_215, %swap3A_216, %swap3A_217] : memref<32x8x1024xf32, #tpu.memory_space<vmem>>, vector<1x8x1024xf32>
    %swap3A_219 = vector.shape_cast %swap3A_218 : vector<1x8x1024xf32> to vector<8x1024xf32>
    %swap3A_220 = vector.shape_cast %slice3A_214 : vector<8x1024xf32> to vector<1x8x1024xf32>
    tpu.vector_store %arg2[%swap3A_215, %swap3A_216, %swap3A_217], %swap3A_220 {strides = array<i32>} : memref<32x8x1024xf32, #tpu.memory_space<vmem>>, vector<1x8x1024xf32>,
    %slice3A_221 = vector.extract_strided_slice %dot_general3A_5 {offsets = [0, 31744], sizes = [8, 1024], strides = [1, 1]} : vector<8x32768xf32> to vector<8x1024xf32>
    %swap3A_222 = arith.constant 31 : index
    %swap3A_223 = arith.constant 0 : index
    %swap3A_224 = arith.constant 0 : index
    %swap3A_225 = vector.load %arg2[%swap3A_222, %swap3A_223, %swap3A_224] : memref<32x8x1024xf32, #tpu.memory_space<vmem>>, vector<1x8x1024xf32>
    %swap3A_226 = vector.shape_cast %swap3A_225 : vector<1x8x1024xf32> to vector<8x1024xf32>
    %swap3A_227 = vector.shape_cast %slice3A_221 : vector<8x1024xf32> to vector<1x8x1024xf32>
    tpu.vector_store %arg2[%swap3A_222, %swap3A_223, %swap3A_224], %swap3A_227 {strides = array<i32>} : memref<32x8x1024xf32, #tpu.memory_space<vmem>>, vector<1x8x1024xf32>,
    return
  }
}

</mosaic_0001>

<sc_bundles>
// kernel: kernel.5.cloned.1.call-start
scs
__scs_entry_jumppad:
0x0: {  	(pc) =	sbr.rel $0x88, $3  }
0x1: {  	(tag) =	ssettag $0x0;
	lr =	simm.s32 $0x1  }
0x2: {  	[smem:$0x3F9F] =	sst lr;
	_ =	strace $0xD0000000  }
0x3: {  	_ = 	snop  }
0x4: {  	_ = 	snop  }
0x5: {  	_ = 	snop  }
0x6: {  	_ = 	snop  }
0x7: {  	_ = 	snop  }
__scs_overlays_trampoline_lowered:
0x8: {  	[smem:$0x3FAE] =	sst s0  }
0x9: {  	[smem:$0x3FAF] =	sst s1  }
0xa: {  	[smem:$0x3FB0] =	sst s2  }
0xb: {  	[smem:$0x3FB1] =	sst s3  }
0xc: {  	[smem:$0x3FB2] =	sst s4  }
0xd: {  	[smem:$0x3FB3] =	sst s5  }
0xe: {  	[smem:$0x3FB4] =	sst s6  }
0xf: {  	[smem:$0x3FB5] =	sst s7  }
0x10: {  	[smem:$0x3FB6] =	sst s8  }
0x11: {  	[smem:$0x3FB7] =	sst s9;
	s0 =	simm.s32 @!p0 $0x0  }
0x12: {  	s1 =	sld [smem:$0x3F9D];
	s0 =	simm.s32 @p0 $0x1  }
0x13: {  	[smem:$0x3FB8] =	sst s0;
	s0 =	simm.s32 @!p1 $0x0  }
0x14: {  	s2 =	sld [smem:$0x3F9C];
	s0 =	simm.s32 @p1 $0x1  }
0x15: {  	[smem:$0x3FB9] =	sst s0;
	s0 =	simm.s32 @!p2 $0x0  }
0x16: {  	s3 =	sld [smem:$0x3FDB];
	s0 =	simm.s32 @p2 $0x1  }
0x17: {  	s4 =	simm.s32 $0x1BF5;
	[smem:$0x3FBB] =	sst s0  }
0x18: {  	s0 =	sld [smem:$0x3F9E];
	_ =	swait.ge [sflag:s4], $0x0  }
0x19: {  	s7 =	sld [smem:$0x3F9F]  }
0x1a: {  	s8 =	sadd.s32 $0xFFFFE003, lr  }
0x1b: {  	s9 =	sadd.s32 $0xFFFFFEF7, lr;
	s5 =	simm.s32 $0xFFFFFFFF;
	p2 =	slt.u32 s8, $0xFFFFF086  }
0x1c: {  	p1 =	slt.u32 s9, $0xF7A;
	s5 =	simm.s32 @!p2 $0x0  }
0x1d: {  	s5 =	simm.s32 @p1 $0x1;
	p0 =	seq.s32 s7, s2  }
0x1e: {  	s7 =	smul.u32 @!p0 $0xF7A, s2;
	p2 =	seq.s32 @!p0 s5, $0x0  }
0x1f: {  	s9 =	smul.u32 $0xF7A, s1;
	s8 =	simm.s32 @!p0 $0x1BF5;
	p2 =	por !p2, p0  }
0x20: {  	[sflag:s8] =	ssyncset.s32 @!p0 $0xFFFFF086;
	s6 =	sadd.s32 @!p0 s3, s7;
	s7 =	simm.s32 @!p0 $0x108  }
0x21: {  	s3 =	sadd.s32 s3, s9;
	s6 =	sadd.s32 @!p0 $0x88, s6;
	s7 =	simm.s32 @p2 $0x1082  }
0x22: {  	[simem:s7], [sflag:s8] =	dma.local @!p0 [hbm:s6], $0xF7A  }
0x23: {  	s9 =	sor.u32 $0xD0000000, s2;
	s6 =	simm.s32 $0x108;
	_ =	swait.ge @!p0 [sflag:s8], $0x0  }
0x24: {  	s3 =	sadd.s32 $0x88, s3;
	s6 =	simm.s32 @!p1 $0x1082;
	[sflag:s4] =	ssyncset.s32 $0xFFFFF086  }
0x25: {  	[simem:s6], [sflag:s4] =	dma.local [hbm:s3], $0xF7A  }
0x26: {  	[smem:$0x3F9F] =	sst s1;
	(tag) =	ssettag s2;
	_ =	strace s9  }
0x27: {  	s1 =	sld [smem:$0x3FAF]  }
0x28: {  	s2 =	sld [smem:$0x3FB0]  }
0x29: {  	s4 =	sld [smem:$0x3FB2]  }
0x2a: {  	p0 =	seq.s32 s5, $0x0;
	s5 =	sld [smem:$0x3FB3]  }
0x2b: {  	s6 =	sld [smem:$0x3FB4]  }
0x2c: {  	s7 =	sld [smem:$0x3FB5]  }
0x2d: {  	s3 =	simm.s32 $0x108;
	s8 =	sld [smem:$0x3FB6]  }
0x2e: {  	s3 =	simm.s32 @!p0 $0x1082;
	s9 =	sld [smem:$0x3FB7]  }
0x2f: {  	lr =	sadd.s32 s0, s3;
	s0 =	sld [smem:$0x3FAE]  }
0x30: {  	s3 =	sld [smem:$0x3FB1]  }
0x31: {  	[smem:$0x3FBA] =	sst s10  }
0x32: {  	s10 =	sld [smem:$0x3FB8];
	_ =	sdelay $0x3  }
0x33: {  	p0 =	seq.s32 s10, $0x1;
	s10 =	sld [smem:$0x3FBA];
	_ =	sdelay $0x3  }
0x34: {  	[smem:$0x3FBA] =	sst s10  }
0x35: {  	s10 =	sld [smem:$0x3FB9];
	_ =	sdelay $0x3  }
0x36: {  	p1 =	seq.s32 s10, $0x1;
	s10 =	sld [smem:$0x3FBA];
	_ =	sdelay $0x3  }
0x37: {  	[smem:$0x3FBA] =	sst s10  }
0x38: {  	s10 =	sld [smem:$0x3FBB]  }
0x39: {  	_ = 	snop;
	(pc) =	sbr.ind lr, $3  }
0x3a: {  	_ = 	snop  }
0x3b: {  	_ = 	snop  }
0x3c: {  	p2 =	seq.s32 s10, $0x1;
	s10 =	sld [smem:$0x3FBA]  }
0x3d: {  	_ =	shalt  }
0x3e: {  	_ =	shalt  }
0x3f: {  	_ =	shalt  }
0x40: {  	_ =	shalt  }
0x41: {  	_ =	shalt  }
0x42: {  	_ =	shalt  }
0x43: {  	_ =	shalt  }
0x44: {  	_ =	shalt  }
0x45: {  	_ =	shalt  }
0x46: {  	_ =	shalt  }
0x47: {  	_ =	shalt  }
0x48: {  	_ =	shalt  }
0x49: {  	_ =	shalt  }
0x4a: {  	_ =	shalt  }
0x4b: {  	_ =	shalt  }
0x4c: {  	_ =	shalt  }
0x4d: {  	_ =	shalt  }
0x4e: {  	_ =	shalt  }
0x4f: {  	_ =	shalt  }
0x50: {  	_ =	shalt  }
0x51: {  	_ =	shalt  }
0x52: {  	_ =	shalt  }
0x53: {  	_ =	shalt  }
0x54: {  	_ =	shalt  }
0x55: {  	_ =	shalt  }
0x56: {  	_ =	shalt  }
0x57: {  	_ =	shalt  }
0x58: {  	_ =	shalt  }
0x59: {  	_ =	shalt  }
0x5a: {  	_ =	shalt  }
0x5b: {  	_ =	shalt  }
0x5c: {  	_ =	shalt  }
0x5d: {  	_ =	shalt  }
0x5e: {  	_ =	shalt  }
0x5f: {  	_ =	shalt  }
0x60: {  	_ =	shalt  }
0x61: {  	_ =	shalt  }
0x62: {  	_ =	shalt  }
0x63: {  	_ =	shalt  }
0x64: {  	_ =	shalt  }
0x65: {  	_ =	shalt  }
0x66: {  	_ =	shalt  }
0x67: {  	_ =	shalt  }
0x68: {  	_ =	shalt  }
0x69: {  	_ =	shalt  }
0x6a: {  	_ =	shalt  }
0x6b: {  	_ =	shalt  }
0x6c: {  	_ =	shalt  }
0x6d: {  	_ =	shalt  }
0x6e: {  	_ =	shalt  }
0x6f: {  	_ =	shalt  }
0x70: {  	_ =	shalt  }
0x71: {  	_ =	shalt  }
0x72: {  	_ =	shalt  }
0x73: {  	_ =	shalt  }
0x74: {  	_ =	shalt  }
0x75: {  	_ =	shalt  }
0x76: {  	_ =	shalt  }
0x77: {  	_ =	shalt  }
0x78: {  	_ =	shalt  }
0x79: {  	_ =	shalt  }
0x7a: {  	_ =	shalt  }
0x7b: {  	_ =	shalt  }
0x7c: {  	_ =	shalt  }
0x7d: {  	_ =	shalt  }
0x7e: {  	_ =	shalt  }
0x7f: {  	_ =	shalt  }
0x80: {  	_ =	shalt  }
0x81: {  	_ =	shalt  }
0x82: {  	_ =	shalt  }
0x83: {  	_ =	shalt  }
0x84: {  	_ =	shalt  }
0x85: {  	_ =	shalt  }
0x86: {  	_ =	shalt  }
0x87: {  	_ =	shalt  }
.Lfunc_end0:
.L_simem_size_0:
called_computation_lowered:
.L_overlay_start_0:
0x88: {  	s2 =	sld [smem:$0x3FD9]  }
0x89: {  	s3 =	sld [smem:$0x3FFE];
	_ =	sdelay $0x1  }
0x8a: {  	s1 =	srdreg.scid  }
0x8b: {  	s0 =	sand.u32 $0x1, s1  }
0x8c: {  	s14 =	sshll.u32 s0, $0xA;
	s2 =	sadd.s32 s3, s2  }
0x8d: {  	s2 =	sadd.s32 s2, s14  }
0x8e: {  	[smem:$0x3FC6] =	sst s2  }
0x8f: {  	_ = 	snop  }
0x90: {  	s2 =	sld [smem:$0x3FD0];
	_ =	sdelay $0x2  }
0x91: {  	s15 =	simm.s32 $0xA;
	s4 =	simm.s32 $0x10  }
0x92: {  	[smem:s4], [sflag:s15] =	dma.local [hbm:s2], $0x1  }
0x93: {  	_ =	swait.eq [sflag:s15], $0x1  }
0x94: {  	[sflag:s15] =	ssyncset.done $0x0  }
0x95: {  	s16 =	sld [smem:$0x10];
	[sflag:s15] =	ssyncadd.s32 $0xFFFFFFFF  }
0x96: {  	s17 =	sld [smem:$0x11];
	(tm) =	ssettm $0x1  }
0x97: {  	s18 =	sld [smem:$0x3FFB];
	_ =	sdelay $0x3  }
0x98: {  	_ =	strace s18  }
0x99: {  	s4 =	sld [smem:$0x3FFC];
	_ =	sdelay $0x3  }
0x9a: {  	_ =	strace s4  }
0x9b: {  	s4 =	sld [smem:$0x3FFD];
	_ =	sdelay $0x3  }
0x9c: {  	_ =	strace s4  }
0x9d: {  	_ =	strace $0x8FFFFFFF  }
0x9e: {  	s19 =	sld [smem:$0x3FDB];
	_ =	sdelay $0x1  }
0x9f: {  	s5 =	simm.s32 $_scs_section_size  }
0xa0: {  	s6 =	simm.s32 $_size__tile_overlayer_lowered;
	s7 =	simm.s32 $_tile_overlayer_lowered  }
0xa1: {  	s22 =	simm.s32 $0x1BFF;
	s21 =	sshll.u32 s7, $0x1;
	s4 =	sadd.s32 s5, s19  }
0xa2: {  	s8 =	simm.s32 $0x0;
	s20 =	sshll.u32 s6, $0x1;
	s6 =	sadd.s32 s21, s4  }
0xa3: {  	[timem:s8], [sflag:s22] =	dma.local [hbm:s6], s20  }
0xa4: {  	_ =	swait.ge [sflag:s22], s20  }
0xa5: {  	s5 =	ssub.s32 $0x0, s20;
	[sflag:s22] =	ssyncset.done $0x0  }
0xa6: {  	[sflag:s22] =	ssyncadd.s32 s5;
	_ =	sdelay $0x1  }
0xa7: {  	s23 =	simm.s32 $0x1B8B  }
0xa8: {  	_ =	swait.ge [sflag:s23], $0x1  }
0xa9: {  	[sflag:s23] =	ssyncset.done $0x0  }
0xaa: {  	s25 =	simm.s32 $0x1B8E;
	s24 =	sld [smem:$0x3FFE];
	[sflag:s23] =	ssyncadd.s32 $0xFFFFFFFF  }
0xab: {  	s26 =	simm.s32 $execute0_lowered;
	[smem:$0x3FD2] =	sst s25  }
0xac: {  	s6 =	sshll.u32 s26, $0x1;
	_ =	strace $0x80000046;
	[dreg:$0x1] =	wrdreg $0xFFFFFFFF  }
0xad: {  	s28 =	simm.s32 $_size_execute0_lowered;
	s4 =	sadd.s32 s4, s6;
	[dreg:$0x0] =	wrdreg $0x0  }
0xae: {  	s6 =	sshll.u32 s28, $0x1;
	[dreg:$0x2] =	wrdreg s4  }
0xaf: {  	[dreg:$0x3] =	wrdreg s6  }
0xb0: {  	[dreg:$0x4] =	wrdreg $0xC0  }
0xb1: {  	_ =	task [dreg:s8], $0x5FFFF  }
0xb2: {  	[dreg:$0x1] =	wrdreg $0xFFFFFFFF  }
0xb3: {  	[dreg:$0x0] =	wrdreg $0x60  }
0xb4: {  	[dreg:$0x2] =	wrdreg s24  }
0xb5: {  	[dreg:$0x3] =	wrdreg s17  }
0xb6: {  	[dreg:$0x4] =	wrdreg s16  }
0xb7: {  	[dreg:$0x5] =	wrdreg $0x9  }
0xb8: {  	_ =	task.clear_ibuf [dreg:s8], $0x6FFFF;
	_ =	strace $0x90000046  }
0xb9: {  	s29 =	simm.s32 $0x9;
	_ =	strace $0x80000048  }
0xba: {  	_ =	swait.ge [sflag:s29], $0x1  }
0xbb: {  	[sflag:s29] =	ssyncadd.s32 $0xFFFFFFFF  }
0xbc: {  	_ =	strace $0x90000048  }
0xbd: {  	_ =	sfence  }
0xbe: {  	s30 =	sld [smem:$0x0];
	_ =	sdelay $0x2  }
0xbf: {  	s31 =	sshll.u32 s1, $0xD;
	s1 =	sshrl.u32 s1, $0x2  }
0xc0: {  	s3 =	sand.u32 $0x4000, s31;
	s1 =	sadd.s32 s1, s30  }
0xc1: {  	s0 =	sor.u32 s3, s0;
	s1 =	sshll.u32 s1, $0x11  }
0xc2: {  	s0 =	sor.u32 s1, s0  }
0xc3: {  	s0 =	sadd.s32 $0x8F2B, s0  }
0xc4: {  	[sflag:s0] =	ssyncadd.remote.s32 $0x1  }
0xc5: {  	_ =	sfence.sel $0xFFFF  }
0xc6: {  	[dreg:$0x0] =	wrdreg $0xFFFFFFFF;
	(pc) =	sbr.abs _section_cstart, $3  }
0xc7: {  	[dreg:$0x1] =	wrdreg $0xFFFFFFFF  }
0xc8: {  	_ =	task.clear_ibuf [dreg:s8], $0x2FFFF;
	_ =	strace $0x9FFFFFFF  }
0xc9: {  	(tm) =	ssettm $0x7FFFFFFF  }
tec
execute0_lowered:
.L_overlay_start_1:
0x0: {  	(tag) =	ssettag $0x1  }
0x1: {  	s3 =	rddreg [dreg:$0x0]  }
0x2: {  	s4 =	rddreg [dreg:$0x1]  }
0x3: {  	s6 =	rddreg [dreg:$0x2]  }
0x4: {  	s0 =	rddreg [dreg:$0x3]  }
0x5: {  	s2 =	simm.s32 $0x0;
	s5 =	srdreg.scid;
	s1 =	stileid.u32  }
0x6: {  	s11 =	simm.s32 $0x3000;
	s12 =	simm.s32 $0x3080;
	s13 =	simm.s32 $0x3100  }
0x7: {  	[smem:$0x7FF] =	sst s2;
	s5 =	sand.u32 $0x1, s5;
	s7 =	sshll.u32 s1, $0x1  }
0x8: {  	s14 =	simm.s32 $0x0;
	_ =	strace $0x80000047;
	s7 =	sor.u32 s5, s7  }
0x9: {  	s5 =	ssub.s32 $0x2, s5;
	s8 =	sshll.u32 s7, $0xA;
	s7 =	sshll.u32 s7, $0x8  }
0xa: {  	s9 =	sshrl.u32 s5, $0x1;
	s8 =	sadd.s32 s8, s3;
	s10 =	sadd.s32 s7, s3  }
0xb: {  	s9 =	ssub.s32 s5, s9;
	s4 =	sadd.s32 s4, s7;
	s6 =	sadd.s32 s6, s7  }
0xc: {  	v1 =	vlaneseq.u32;
	s3 =	sadd.s32 $0x1200, s8;
	s5 =	sadd.s32 $0x9200, s10;
	s7 =	smax.u32 s9, $0x1  }
0xd: {  	v0 =	vimm.s32 $0x0;
	v2 =	vimm.f32 $1.000000000e+00;
	v1 =	vmul.u32 $0x2, v1;
	s8 =	simm.s32 $0x1;
	s9 =	simm.s32 $0x2000;
	s10 =	simm.s32 $0x2800  }
.LBB2_1:
0xe: {  	[tilespmem:s2], [sflag:$0x1] =	stream.linear.gather [hbm4b:s3+s2], $0x2000, $0x38;
	[tilespmem:$0x3900] =	vst v63  }
0xf: {  	_ =	swait.ge [sflag:s8], $0x2000  }
0x10: {  	[sflag:s8] =	ssyncset.done $0x0  }
0x11: {  	v3 =	vimm.f32 $0.0e+00;
	[sflag:s8] =	ssyncadd.s32 $0xFFFFE000  }
0x12: {  	s15 =	sand.u32 $0x70, s2;
	s16 =	sand.u32 $0x1C00, s2;
	[tilespmem:$0x3000] =	vst v3  }
0x13: {  	s15 =	sor.u32 s15, s16;
	[tilespmem:$0x3080] =	vst v3  }
0x14: {  	v4 =	vld [tilespmem:s15+$0x0]  }
0x15: {  	v5 =	vld [tilespmem:s15+$0x80];
	_ =	sdelay $0x1  }
0x16: {  	v6 =	vld [tilespmem:s15+$0x100];
	_ =	sdelay $0x1  }
0x17: {  	v7 =	vld [tilespmem:s15+$0x180]  }
0x18: {  	vm0 =	vgt.f32 v5, v4  }
0x19: {  	v8 =	vld [tilespmem:s15+$0x200];
	v10 =	vmul.f32 $1.442695020e+00, v4;
	v9 =	vsel vm0, v5, v4  }
0x1a: {  	v11 =	vmul.f32 $1.442695020e+00, v5;
	vm1 =	vgt.f32 v6, v9  }
0x1b: {  	v12 =	vld [tilespmem:s15+$0x280];
	(erf) = vpow2.f32 v10;
	v9 =	vsel vm1, v6, v9  }
0x1c: {  	(erf) = vpow2.f32 v11;
	vm2 =	vgt.f32 v7, v9  }
0x1d: {  	s31 =	sor.u32 s2, s2;
	v10 =	vld [tilespmem:s15+$0x300];
	v11 =	vmul.f32 $1.442695020e+00, v6;
	v9 =	vsel vm2, v7, v9  }
0x1e: {  	v14 =	vmul.f32 $1.442695020e+00, v7;
	s15 =	sor.u32 $0x380, s31;
	vm3 =	vgt.f32 v8, v9  }
0x1f: {  	v15 =	vsel vm0, $0x1, v0;
	v13 =	vld [tilespmem:s15+$0x0];
	(erf) = vpow2.f32 v11;
	v9 =	vsel vm3, v8, v9  }
0x20: {  	(erf) = vpow2.f32 v14;
	v14 =	vmul.f32 $1.442695020e+00, v8;
	vm0 =	vgt.f32 v12, v9  }
0x21: {  	v11 =	vsel vm1, $0x2, v15;
	v9 =	vsel vm0, v12, v9  }
0x22: {  	v11 =	vsel vm2, $0x3, v11;
	vm1 =	vgt.f32 v10, v9  }
0x23: {  	v15 =	vmul.f32 $1.442695020e+00, v12;
	v11 =	vsel vm3, $0x4, v11;
	v9 =	vsel vm1, v10, v9  }
0x24: {  	(erf) = vpow2.f32 v14;
	v11 =	vsel vm0, $0x5, v11;
	v14 =	vpop (erf);
	vm0 =	vgt.f32 v13, v9  }
0x25: {  	v18 =	vmul.f32 $1.442695020e+00, v13;
	v11 =	vsel vm1, $0x6, v11;
	v16 =	vpop (erf);
	vm0 =	vmneg vm0  }
0x26: {  	(erf) = vpow2.f32 v15;
	v17 =	vadd.f32 v16, v14;
	v15 =	vnsel vm0, $0x7, v11  }
0x27: {  	v11 =	vmul.f32 $1.442695020e+00, v10;
	vm2 =	veq.s32 v15, $0x0;
	vm3 =	veq.s32 v15, $0x1  }
0x28: {  	vm4 =	veq.s32 v15, $0x3;
	v4 =	vsel vm2, $0xF149F2CA, v4;
	v5 =	vsel vm3, $0xF149F2CA, v5  }
0x29: {  	vm3 =	veq.s32 v15, $0x2;
	(erf) = vpow2.f32 v11;
	vm2 =	vgt.f32 v5, v4  }
0x2a: {  	v19 =	vpop (erf);
	v7 =	vsel vm4, $0xF149F2CA, v7;
	v6 =	vsel vm3, $0xF149F2CA, v6;
	v4 =	vsel vm2, v5, v4  }
0x2b: {  	(erf) = vpow2.f32 v18;
	v5 =	vadd.f32 v19, v17;
	vm3 =	vgt.f32 v6, v4  }
0x2c: {  	v11 =	vpop (erf);
	v4 =	vsel vm3, v6, v4  }
0x2d: {  	vm5 =	veq.s32 v15, $0x4;
	v5 =	vadd.f32 v11, v5;
	vm4 =	vgt.f32 v7, v4  }
0x2e: {  	v6 =	vsel vm5, $0xF149F2CA, v8;
	v4 =	vsel vm4, v7, v4;
	v7 =	vpop (erf)  }
0x2f: {  	vm15 =	veq.s32 v15, $0x5;
	vm6 =	vgt.f32 v6, v4;
	v5 =	vadd.f32 v7, v5  }
0x30: {  	v8 =	vsel vm15, $0xF149F2CA, v12;
	v20 =	vpop (erf);
	v4 =	vsel vm6, v6, v4  }
0x31: {  	vm1 =	vmand vm1, vm0;
	vm5 =	vgt.f32 v8, v4;
	v5 =	vadd.f32 v20, v5  }
0x32: {  	v6 =	vsel vm1, $0xF149F2CA, v10;
	v4 =	vsel vm5, v8, v4;
	v8 =	vsel vm0, v9, v13;
	v9 =	vpop (erf)  }
0x33: {  	vm1 =	vgt.f32 v6, v4;
	v5 =	vadd.f32 v9, v5  }
0x34: {  	v10 =	vnsel vm0, $0xF149F2CA, v13;
	v21 =	vpop (erf);
	v4 =	vsel vm1, v6, v4;
	v6 =	vmul.f32 $1.442695020e+00, v8  }
0x35: {  	vm0 =	vgt.f32 v10, v4;
	v5 =	vadd.f32 v21, v5  }
0x36: {  	v4 =	vsel vm0, v10, v4;
	(erf) = vpow2.f32 v6  }
0x37: {  	v4 =	vmul.f32 $1.442695020e+00, v4;
	(erf) = vrcp.f32 v5;
	_ =	sdelay $0x1  }
0x38: {  	v5 =	vsel vm2, $0x1, v0;
	(erf) = vpow2.f32 v4  }
0x39: {  	v5 =	vsel vm3, $0x2, v5  }
0x3a: {  	v4 =	vmov s2;
	v5 =	vsel vm4, $0x3, v5  }
0x3b: {  	v4 =	vshll.u32 v4, $0x1;
	v5 =	vsel vm6, $0x4, v5  }
0x3c: {  	v4 =	vor.u32 v1, v4;
	v5 =	vsel vm5, $0x5, v5  }
0x3d: {  	v8 =	vor.u32 $0x1, v4;
	v5 =	vsel vm1, $0x6, v5  }
0x3e: {  	v5 =	vsel vm0, $0x7, v5;
	v6 =	vpop (erf)  }
0x3f: {  	v17 =	vshrl.u32 v15, $0x1;
	v18 =	vshrl.u32 v5, $0x1;
	v13 =	vpop (erf)  }
0x40: {  	vm0 =	vne.s32 v18, v17;
	v12 =	vmul.f32 v13, v9  }
0x41: {  	[tilespmem:v4+s9+$0x0] =	vst.idx.msk $0xffff, v15;
	v6 =	vmul.f32 v6, v13;
	v10 =	vmul.f32 v13, v14;
	v9 =	vpop (erf)  }
0x42: {  	[tilespmem:v8+s9+$0x0] =	vst.idx.msk $0xffff, v5;
	v14 =	vmul.f32 v13, v16;
	v9 =	vmul.f32 v9, v13  }
0x43: {  	v16 =	vmul.f32 v13, v19;
	[tilespmem:v4+s10+$0x0] =	vst.idx.msk $0xffff, v6;
	v4 =	vmul.f32 v13, v7  }
0x44: {  	v6 =	vadd.f32 v10, v3;
	v7 =	vimm.f32 $0.0e+00;
	[tilespmem:v8+s10+$0x0] =	vst.idx.msk $0xffff, v9;
	v8 =	vadd.f32 v14, v3  }
0x45: {  	s15 =	simm.s32 $0x10;
	v10 =	vimm.f32 $0.0e+00;
	v14 =	vmul.f32 v13, v21;
	v4 =	vadd.f32 v4, v3;
	[tilespmem:v15+s11+$0x0] =	vst.idx.add.f32.msk $0xffff, v2  }
0x46: {  	s19 =	simm.s32 $0x20;
	s16 =	simm.s32 $0x80;
	s17 =	sand.u32 $0x70, s15;
	v9 =	vimm.f32 $0.0e+00;
	v15 =	vmul.f32 v13, v20;
	[tilespmem:v5+s11+$0x0] =	vst.idx.add.f32.msk $0xffff, v2;
	v5 =	vimm.f32 $0.0e+00  }
.LBB2_2:
0x47: {  	s20 =	sand.u32 $0x70, s19  }
0x48: {  	s21 =	sand.u32 $0x1C00, s16;
	v3 =	vadd.f32 v16, v3;
	v11 =	vmul.f32 v13, v11;
	[tilespmem:v17+s12+$0x0] =	vst.idx.add.f32.msk $0xffff, v2;
	s22 =	smov.u32 s19;
	s18 =	sadd.s32 $0x10, s19  }
0x49: {  	p0 =	sne.s32 s19, $0x3F0;
	v9 =	vadd.f32 v12, v9;
	s19 =	sor.u32 s17, s21;
	v7 =	vadd.f32 v15, v7;
	[tilespmem:v18+s12+$0x0] =	vst.idx.add.f32.msk vm0, v2;
	s17 =	smov.u32 s20  }
0x4a: {  	v5 =	vadd.f32 v14, v5;
	v12 =	vld [tilespmem:s19+$0x0];
	v10 =	vadd.f32 v11, v10  }
0x4b: {  	v13 =	vld [tilespmem:s19+$0x80]  }
0x4c: {  	v14 =	vld [tilespmem:s19+$0x100];
	_ =	sdelay $0x1  }
0x4d: {  	v15 =	vld [tilespmem:s19+$0x180]  }
0x4e: {  	v11 =	vmul.f32 $1.442695020e+00, v12  }
0x4f: {  	v16 =	vld [tilespmem:s19+$0x200];
	v17 =	vmul.f32 $1.442695020e+00, v13;
	vm0 =	vgt.f32 v13, v12  }
0x50: {  	v18 =	vmul.f32 $1.442695020e+00, v14;
	v19 =	vsel vm0, v13, v12;
	(erf) = vpow2.f32 v11  }
0x51: {  	v20 =	vld [tilespmem:s19+$0x280];
	vm1 =	vgt.f32 v14, v19;
	(erf) = vpow2.f32 v17  }
0x52: {  	v11 =	vmul.f32 $1.442695020e+00, v15;
	v17 =	vsel vm1, v14, v19  }
0x53: {  	v19 =	vld [tilespmem:s19+$0x300];
	vm2 =	vgt.f32 v15, v17;
	(erf) = vpow2.f32 v18  }
0x54: {  	s19 =	sor.u32 s16, s15;
	v17 =	vsel vm2, v15, v17;
	(erf) = vpow2.f32 v11  }
0x55: {  	v18 =	vmov s15;
	s15 =	smov.u32 s22;
	s19 =	sor.u32 $0x380, s19;
	v11 =	vmul.f32 $1.442695020e+00, v16;
	vm3 =	vgt.f32 v16, v17  }
0x56: {  	v23 =	vsel vm0, $0x1, v0;
	v21 =	vld [tilespmem:s19+$0x0];
	v24 =	vmul.f32 $1.442695020e+00, v20;
	v17 =	vsel vm3, v16, v17  }
0x57: {  	v23 =	vsel vm1, $0x2, v23;
	vm0 =	vgt.f32 v20, v17;
	(erf) = vpow2.f32 v11  }
0x58: {  	v11 =	vsel vm2, $0x3, v23;
	v17 =	vsel vm0, v20, v17;
	(erf) = vpow2.f32 v24  }
0x59: {  	v18 =	vshll.u32 v18, $0x1;
	v11 =	vsel vm3, $0x4, v11;
	vm1 =	vgt.f32 v19, v17;
	v22 =	vpop (erf)  }
0x5a: {  	v23 =	vmul.f32 $1.442695020e+00, v19;
	v11 =	vsel vm0, $0x5, v11;
	v17 =	vsel vm1, v19, v17;
	v24 =	vpop (erf)  }
0x5b: {  	v28 =	vsel vm1, $0x6, v11;
	v25 =	vadd.f32 v24, v22;
	vm0 =	vgt.f32 v21, v17  }
0x5c: {  	v26 =	vmul.f32 $1.442695020e+00, v21;
	vm0 =	vmneg vm0;
	v27 =	vpop (erf);
	(erf) = vpow2.f32 v23  }
0x5d: {  	v23 =	vadd.f32 v27, v25;
	v25 =	vnsel vm0, $0x7, v28;
	vm3 =	vmand vm1, vm0;
	v11 =	vpop (erf)  }
0x5e: {  	vm1 =	veq.s32 v25, $0x0;
	vm2 =	veq.s32 v25, $0x1;
	vm4 =	veq.s32 v25, $0x3  }
0x5f: {  	v12 =	vsel vm1, $0xF149F2CA, v12;
	v13 =	vsel vm2, $0xF149F2CA, v13;
	vm2 =	veq.s32 v25, $0x2  }
0x60: {  	vm1 =	vgt.f32 v13, v12;
	v14 =	vsel vm2, $0xF149F2CA, v14;
	v28 =	vpop (erf);
	(erf) = vpow2.f32 v26  }
0x61: {  	vm6 =	veq.s32 v25, $0x5;
	v23 =	vadd.f32 v11, v23;
	v12 =	vsel vm1, v13, v12;
	v26 =	vpop (erf)  }
0x62: {  	v15 =	vsel vm4, $0xF149F2CA, v15;
	v13 =	vsel vm0, v17, v21;
	vm2 =	vgt.f32 v14, v12  }
0x63: {  	vm5 =	veq.s32 v25, $0x4;
	v17 =	vadd.f32 v28, v23;
	v12 =	vsel vm2, v14, v12  }
0x64: {  	v13 =	vmul.f32 $1.442695020e+00, v13;
	v14 =	vsel vm5, $0xF149F2CA, v16;
	vm4 =	vgt.f32 v15, v12  }
0x65: {  	v16 =	vadd.f32 v26, v17;
	v12 =	vsel vm4, v15, v12;
	v15 =	vpop (erf)  }
0x66: {  	v17 =	vsel vm6, $0xF149F2CA, v20;
	vm5 =	vgt.f32 v14, v12  }
0x67: {  	v16 =	vadd.f32 v15, v16;
	v12 =	vsel vm5, v14, v12  }
0x68: {  	v14 =	vsel vm3, $0xF149F2CA, v19;
	vm6 =	vgt.f32 v17, v12  }
0x69: {  	v12 =	vsel vm6, v17, v12;
	v19 =	vpop (erf)  }
0x6a: {  	v17 =	vnsel vm0, $0xF149F2CA, v21;
	v16 =	vadd.f32 v19, v16;
	vm3 =	vgt.f32 v14, v12  }
0x6b: {  	v12 =	vsel vm3, v14, v12  }
0x6c: {  	vm0 =	vgt.f32 v17, v12  }
0x6d: {  	v12 =	vsel vm0, v17, v12  }
0x6e: {  	v12 =	vmul.f32 $1.442695020e+00, v12;
	(erf) = vpow2.f32 v13  }
0x6f: {  	(erf) = vrcp.f32 v16  }
0x70: {  	(erf) = vpow2.f32 v12;
	_ =	sdelay $0x1  }
0x71: {  	v12 =	vsel vm1, $0x1, v0  }
0x72: {  	v14 =	vor.u32 v1, v18;
	v12 =	vsel vm2, $0x2, v12  }
0x73: {  	v20 =	vor.u32 $0x1, v14;
	v12 =	vsel vm4, $0x3, v12  }
0x74: {  	v12 =	vsel vm5, $0x4, v12  }
0x75: {  	v12 =	vsel vm6, $0x5, v12  }
0x76: {  	v12 =	vsel vm3, $0x6, v12;
	v16 =	vpop (erf)  }
0x77: {  	v17 =	vshrl.u32 v25, $0x1;
	v21 =	vsel vm0, $0x7, v12;
	[tilespmem:v14+s9+$0x0] =	vst.idx.msk $0xffff, v25;
	v13 =	vpop (erf)  }
0x78: {  	v18 =	vshrl.u32 v21, $0x1;
	v12 =	vmul.f32 v13, v15;
	v15 =	vmul.f32 v16, v13;
	[tilespmem:v20+s9+$0x0] =	vst.idx.msk $0xffff, v21;
	v16 =	vpop (erf)  }
.Ltmp0:
0x79: {  	vm0 =	vne.s32 v18, v17;
	v22 =	vmul.f32 v13, v22;
	v23 =	vmul.f32 v16, v13;
	(pc) =	sbr.rel @p0 .LBB2_2-.Ltmp0, $4  }
0x7a: {  	v24 =	vmul.f32 v13, v24;
	v16 =	vmul.f32 v13, v27;
	[tilespmem:v14+s10+$0x0] =	vst.idx.msk $0xffff, v15  }
0x7b: {  	v6 =	vadd.f32 v22, v6;
	v15 =	vmul.f32 v13, v28;
	[tilespmem:v20+s10+$0x0] =	vst.idx.msk $0xffff, v23  }
0x7c: {  	v8 =	vadd.f32 v24, v8;
	v14 =	vmul.f32 v13, v19;
	[tilespmem:v25+s11+$0x0] =	vst.idx.add.f32.msk $0xffff, v2  }
0x7d: {  	s16 =	sadd.s32 $0x80, s16;
	s19 =	smov.u32 s18;
	v4 =	vadd.f32 v15, v4;
	v15 =	vmul.f32 v13, v26;
	[tilespmem:v21+s11+$0x0] =	vst.idx.add.f32.msk $0xffff, v2  }
0x7e: {  	_ =	sdelay $0x3  }
0x7f: {  	s18 =	sand.u32 $0x1C00, s16;
	[tilespmem:v17+s12+$0x0] =	vst.idx.add.f32.msk $0xffff, v2  }
0x80: {  	s17 =	sor.u32 s17, s18;
	[tilespmem:v18+s12+$0x0] =	vst.idx.add.f32.msk vm0, v2  }
0x81: {  	v17 =	vld [tilespmem:s17+$0x0]  }
0x82: {  	v18 =	vld [tilespmem:s17+$0x80];
	_ =	sdelay $0x1  }
0x83: {  	v19 =	vld [tilespmem:s17+$0x100];
	_ =	sdelay $0x1  }
0x84: {  	v20 =	vld [tilespmem:s17+$0x180]  }
0x85: {  	vm7 =	vgt.f32 v18, v17  }
0x86: {  	v21 =	vld [tilespmem:s17+$0x200];
	v22 =	vsel vm7, v18, v17  }
0x87: {  	vm1 =	vgt.f32 v19, v22  }
0x88: {  	v24 =	vld [tilespmem:s17+$0x280];
	v22 =	vsel vm1, v19, v22  }
0x89: {  	vm2 =	vgt.f32 v20, v22  }
0x8a: {  	s31 =	sor.u32 s16, s15;
	v63 =	vld [tilespmem:s17+$0x300];
	v23 =	vmul.f32 $1.442695020e+00, v17;
	v22 =	vsel vm2, v20, v22  }
0x8b: {  	s16 =	sor.u32 $0x380, s31;
	v25 =	vmul.f32 $1.442695020e+00, v18;
	vm3 =	vgt.f32 v21, v22  }
0x8c: {  	v26 =	vld [tilespmem:s16+$0x0];
	v33 =	vmul.f32 $1.442695020e+00, v19;
	(erf) = vpow2.f32 v23;
	v22 =	vsel vm3, v21, v22  }
0x8d: {  	v28 =	vsel vm7, $0x1, v0;
	(erf) = vpow2.f32 v25;
	vm8 =	vgt.f32 v24, v22  }
0x8e: {  	v27 =	vmul.f32 $1.442695020e+00, v20;
	v34 =	vsel vm1, $0x2, v28;
	v22 =	vsel vm8, v24, v22  }
0x8f: {  	(erf) = vpow2.f32 v33;
	v25 =	vsel vm2, $0x3, v34;
	vm9 =	vgt.f32 v63, v22  }
0x90: {  	v35 =	vmul.f32 $1.442695020e+00, v21;
	v25 =	vsel vm3, $0x4, v25;
	v22 =	vsel vm9, v63, v22  }
0x91: {  	(erf) = vpow2.f32 v27;
	v25 =	vsel vm8, $0x5, v25;
	vm10 =	vgt.f32 v26, v22  }
0x92: {  	v36 =	vmul.f32 $1.442695020e+00, v24;
	v25 =	vsel vm9, $0x6, v25;
	vm0 =	vmneg vm10  }
0x93: {  	v38 =	vmul.f32 $1.442695020e+00, v63;
	(erf) = vpow2.f32 v35;
	v25 =	vnsel vm0, $0x7, v25  }
0x94: {  	v31 =	vmul.f32 $1.442695020e+00, v26;
	vm11 =	veq.s32 v25, $0x0;
	vm12 =	veq.s32 v25, $0x1  }
0x95: {  	(erf) = vpow2.f32 v36;
	v37 =	vpop (erf);
	v17 =	vsel vm11, $0xF149F2CA, v17;
	v18 =	vsel vm12, $0xF149F2CA, v18  }
0x96: {  	v29 =	vpop (erf);
	(erf) = vpow2.f32 v38;
	vm13 =	veq.s32 v25, $0x2;
	vm2 =	vgt.f32 v18, v17  }
0x97: {  	v30 =	vadd.f32 v29, v37;
	v19 =	vsel vm13, $0xF149F2CA, v19;
	v17 =	vsel vm2, v18, v17  }
0x98: {  	v32 =	vpop (erf);
	(erf) = vpow2.f32 v31;
	vm4 =	veq.s32 v25, $0x3;
	vm3 =	vgt.f32 v19, v17  }
0x99: {  	v39 =	vadd.f32 v32, v30;
	v20 =	vsel vm4, $0xF149F2CA, v20;
	v17 =	vsel vm3, v19, v17  }
0x9a: {  	v40 =	vpop (erf);
	vm5 =	veq.s32 v25, $0x4;
	vm4 =	vgt.f32 v20, v17  }
0x9b: {  	v21 =	vsel vm5, $0xF149F2CA, v21;
	v18 =	vadd.f32 v40, v39;
	v17 =	vsel vm4, v20, v17  }
0x9c: {  	v41 =	vpop (erf);
	vm14 =	veq.s32 v25, $0x5;
	vm6 =	vgt.f32 v21, v17  }
0x9d: {  	v24 =	vsel vm14, $0xF149F2CA, v24;
	v18 =	vadd.f32 v41, v18;
	v17 =	vsel vm6, v21, v17  }
0x9e: {  	vm1 =	vmand vm9, vm0;
	v42 =	vpop (erf);
	vm5 =	vgt.f32 v24, v17  }
0x9f: {  	v23 =	vsel vm1, $0xF149F2CA, v63;
	v18 =	vadd.f32 v42, v18;
	v17 =	vsel vm5, v24, v17  }
0xa0: {  	v22 =	vsel vm0, v22, v26;
	v43 =	vpop (erf);
	vm1 =	vgt.f32 v23, v17  }
0xa1: {  	v26 =	vnsel vm0, $0xF149F2CA, v26;
	v18 =	vadd.f32 v43, v18;
	v17 =	vsel vm1, v23, v17  }
0xa2: {  	v22 =	vmul.f32 $1.442695020e+00, v22;
	v44 =	vpop (erf);
	vm0 =	vgt.f32 v26, v17  }
0xa3: {  	v18 =	vadd.f32 v44, v18;
	v17 =	vsel vm0, v26, v17  }
0xa4: {  	(erf) = vpow2.f32 v22;
	v17 =	vmul.f32 $1.442695020e+00, v17  }
0xa5: {  	(erf) = vrcp.f32 v18  }
0xa6: {  	(erf) = vpow2.f32 v17;
	_ =	sdelay $0x1  }
0xa7: {  	v45 =	vmov s15;
	v46 =	vsel vm2, $0x1, v0  }
0xa8: {  	v18 =	vsel vm3, $0x2, v46;
	v17 =	vshll.u32 v45, $0x1  }
0xa9: {  	v18 =	vsel vm4, $0x3, v18;
	v17 =	vor.u32 v1, v17  }
0xaa: {  	v18 =	vsel vm6, $0x4, v18;
	v47 =	vor.u32 $0x1, v17  }
0xab: {  	v18 =	vsel vm5, $0x5, v18  }
0xac: {  	v48 =	vpop (erf);
	v18 =	vsel vm1, $0x6, v18  }
0xad: {  	v18 =	vsel vm0, $0x7, v18;
	v49 =	vpop (erf)  }
0xae: {  	v50 =	vshrl.u32 v25, $0x1;
	v51 =	vshrl.u32 v18, $0x1;
	v26 =	vmul.f32 v48, v49;
	[tilespmem:v17+s9+$0x0] =	vst.idx.msk $0xffff, v25;
	v33 =	vpop (erf)  }
0xaf: {  	vm15 =	vne.s32 v51, v50;
	[tilespmem:v47+s9+$0x0] =	vst.idx.msk $0xffff, v18;
	v33 =	vmul.f32 v33, v49  }
0xb0: {  	[tilespmem:v17+s10+$0x0] =	vst.idx.msk $0xffff, v26  }
0xb1: {  	v11 =	vmul.f32 v13, v11;
	[tilespmem:v47+s10+$0x0] =	vst.idx.msk $0xffff, v33  }
0xb2: {  	v3 =	vadd.f32 v16, v3;
	v52 =	vmul.f32 v49, v37;
	[tilespmem:v25+s11+$0x0] =	vst.idx.add.f32.msk $0xffff, v2  }
0xb3: {  	v10 =	vadd.f32 v11, v10;
	v53 =	vmul.f32 v49, v29;
	[tilespmem:v18+s11+$0x0] =	vst.idx.add.f32.msk $0xffff, v2  }
0xb4: {  	v54 =	vmul.f32 v49, v32;
	v6 =	vadd.f32 v52, v6;
	[tilespmem:v50+s12+$0x0] =	vst.idx.add.f32.msk $0xffff, v2  }
0xb5: {  	v55 =	vmul.f32 v49, v40;
	v8 =	vadd.f32 v53, v8;
	[tilespmem:v51+s12+$0x0] =	vst.idx.add.f32.msk vm15, v2  }
0xb6: {  	v56 =	vmul.f32 v49, v41;
	v3 =	vadd.f32 v54, v3;
	[tilespmem:$0x3100] =	vst v6  }
0xb7: {  	v57 =	vadd.f32 v15, v7;
	v58 =	vmul.f32 v49, v42;
	v10 =	vadd.f32 v55, v10;
	[tilespmem:$0x3180] =	vst v8  }
0xb8: {  	v59 =	vadd.f32 v12, v9;
	v60 =	vmul.f32 v49, v43;
	v4 =	vadd.f32 v56, v4;
	[tilespmem:$0x3200] =	vst v3  }
0xb9: {  	v61 =	vmul.f32 v49, v44;
	v3 =	vadd.f32 v14, v5;
	v6 =	vadd.f32 v58, v57;
	[tilespmem:$0x3280] =	vst v10;
	v62 =	vld [tilespmem:$0x3000]  }
0xba: {  	v8 =	vadd.f32 v60, v59;
	[tilespmem:$0x3300] =	vst v4;
	v63 =	vld [tilespmem:$0x3080]  }
0xbb: {  	v3 =	vadd.f32 v61, v3;
	[tilespmem:$0x3380] =	vst v6  }
0xbc: {  	[tilespmem:$0x3400] =	vst v8  }
0xbd: {  	[tilespmem:$0x3480] =	vst v3  }
0xbe: {  	[tilespmem:$0x3500] =	vst v62  }
0xbf: {  	[tilespmem:$0x3580] =	vst v63  }
0xc0: {  	[hbm4b:s4+s2] =	stream.linear.scatter [tilespmem:s9], [sflag:$0x1], $0x800, $0x38;
	[tilespmem:$0x3900] =	vst v63  }
0xc1: {  	_ =	swait.ge [sflag:s8], $0x800  }
0xc2: {  	[sflag:s8] =	ssyncset.done $0x0  }
0xc3: {  	[sflag:s8] =	ssyncadd.s32 $0xFFFFF800  }
0xc4: {  	[hbm4b:s5+s2] =	stream.linear.scatter [tilespmem:s10], [sflag:$0x1], $0x800, $0x38;
	[tilespmem:$0x3900] =	vst v63  }
0xc5: {  	s14 =	sadd.s32 $0x1, s14;
	_ =	swait.ge [sflag:s8], $0x800  }
0xc6: {  	p0 =	sne.s32 s14, s7;
	[sflag:s8] =	ssyncset.done $0x0  }
.Ltmp1:
0xc7: {  	[sflag:s8] =	ssyncadd.s32 $0xFFFFF800;
	(pc) =	sbr.rel @p0 .LBB2_1-.Ltmp1, $4  }
0xc8: {  	[hbm4b:s6+s2] =	stream.linear.scatter [tilespmem:s13], [sflag:$0x1], $0x500, $0x38;
	[tilespmem:$0x3900] =	vst v63  }
0xc9: {  	_ =	swait.ge [sflag:s8], $0x500  }
0xca: {  	[sflag:s8] =	ssyncset.done $0x0  }
0xcb: {  	[sflag:s8] =	ssyncadd.s32 $0xFFFFFB00  }
0xcc: {  	_ =	sfence.sel $0x180000  }
0xcd: {  	[bflag:$0x0] =	sbarrier.arrive $0xFFFF  }
0xce: {  	p0 =	sne.s32 s1, $0x0;
	_ =	strace $0x90000047  }
0xcf: {  	s0 =	sadd.s32 @!p0 $0x100000, s0;
	[bflag:$0x2] =	sbarrier.arrive $0xFFFF  }
0xd0: {  	[sflag:s0] =	ssyncadd.tile.s32 @!p0 $0x1;
	_ =	shalt  }
.Lfunc_end2:
_tile_overlayer_lowered:
.L_overlay_start_2:
0xd1: {  	(tag) =	ssettag $0x2  }
0xd2: {  	s0 =	rddreg [dreg:$0x0];
	s2 =	stileid.u32  }
0xd3: {  	s1 =	rddreg [dreg:$0x1];
	p0 =	sne.s32 s2, $0x0  }
0xd4: {  	s3 =	rddreg [dreg:$0x2];
	[bflag:$0x3] =	sbarrier.arrive $0xFFFF;
	s2 =	simm.s32 @!p0 $0x1C01  }
0xd5: {  	[timem:s3], [sflag:s2] =	dma.local @!p0 [hbm:s0], s1  }
0xd6: {  	s0 =	simm.s32 @!p0 $0x1  }
0xd7: {  	_ =	swait.ge @!p0 [sflag:s0], s1  }
0xd8: {  	s1 =	ssub.s32 @!p0 $0x0, s1;
	[sflag:s0] =	ssyncset.done @!p0 $0x0  }
0xd9: {  	[sflag:s0] =	ssyncadd.s32 @!p0 s1  }
0xda: {  	[bflag:$0x3] =	sbarrier.arrive $0xFFFF  }
0xdb: {  	_ =	shalt  }

</sc_bundles>
